<compile_context>
chip_gen: v7x
topology: tpu7x:2x2x1
jax: 0.10.2.dev20260603
libtpu: 0.0.44.dev20260713+nightly
codegen_flags: <defaults>
</compile_context>

<pallas_src>
import functools

import jax
import jax.numpy as jnp
from jax import lax
from jax.experimental import pallas as pl
from jax.experimental.pallas import tpu as pltpu
from jax.experimental.pallas import tpu_sc as plsc

BLOCK = 128
S = 5
L = 3


def _body(bpw, nc, idx_hbm, table_hbm, out_hbm, idx_all, rows_v, *sems):
    wid = lax.axis_index("s") * nc + lax.axis_index("c")
    blk0 = wid * bpw
    gsems, wsems = sems[:S], sems[S:]

    pltpu.sync_copy(idx_hbm.at[pl.ds(blk0, bpw)], idx_all)

    def fire_g(c, s):
        pltpu.async_copy(table_hbm.at[idx_all.at[c]], rows_v.at[s], gsems[s])

    def wait_g(c, s):
        pltpu.make_async_copy(table_hbm.at[idx_all.at[c]],
                              rows_v.at[s], gsems[s]).wait()

    def fire_w(c, s):
        pltpu.async_copy(rows_v.at[s], out_hbm.at[blk0 + c], wsems[s])

    def wait_w(s):
        pltpu.make_async_copy(rows_v.at[s], out_hbm.at[blk0], wsems[s]).wait()

    def stage(c, s, do_wait_w=True, fire_next=True):
        wait_g(c, s)
        fire_w(c, s)
        if do_wait_w or fire_next:
            t = (s + L) % S
        if do_wait_w:
            wait_w(t)
        if fire_next:
            fire_g(c + L, t)

    for c in range(L):
        fire_g(c, c)
    for c in range(S - L):
        stage(c, c, do_wait_w=False)
    for c in range(S - L, S):
        stage(c, c)

    @pl.loop(1, bpw // S - 1)
    def _main(k):
        c0 = S * k
        for s in range(S):
            stage(c0 + s, s)

    for c in range(bpw - S, bpw):
        stage(c, c % S, fire_next=(c + L < bpw))
    for c in range(bpw + L - S, bpw):
        wait_w(c % S)


def kernel(token_ids, weights):
    b, t = token_ids.shape
    vocab, d = weights.shape
    nb = (b * t) // BLOCK
    info = plsc.get_sparse_core_info()
    nw = info.num_cores * info.num_subcores
    bpw = nb // nw

    idx2d = token_ids.reshape(nb, BLOCK).astype(jnp.int32)
    mesh = plsc.VectorSubcoreMesh(core_axis_name="c", subcore_axis_name="s")
    run = pl.kernel(
        functools.partial(_body, bpw, info.num_cores),
        out_type=jax.ShapeDtypeStruct((nb, BLOCK, d), jnp.float32),
        mesh=mesh,
        scratch_types=[
            pltpu.VMEM((bpw, BLOCK), jnp.int32),
            pltpu.VMEM((S, BLOCK, d), jnp.float32),
        ] + [pltpu.SemaphoreType.DMA] * (2 * S),
    )
    out = run(idx2d, weights)
    return out.reshape(b, t, d)

# --- scband reference (transcript-rebuilt; emitter-appended) ---
"""Pipeline reference for scband-embedding-17626545782950 (READ-ONLY COPY).

The authoritative reference and input builder live on the scoring server;
editing this copy changes nothing except your own understanding.
"""

import jax, jax.numpy as jnp
import numpy as np

VOCAB_SIZE = 100000
D_MODEL = 128
PAD_ID = 0


def setup_inputs(seed: int = 0) -> dict:
    key = jax.random.key(seed)
    k_idx, k_w = jax.random.split(key)
    token_ids = jax.random.randint(k_idx, (4096, 200), 0, VOCAB_SIZE, dtype=jnp.int64 if jax.config.jax_enable_x64 else jnp.int32)
    weights = jax.random.normal(k_w, (VOCAB_SIZE, D_MODEL), dtype=jnp.float32) * 0.02
    # pad row is zeroed at init, matching torch __init__
    weights = weights.at[PAD_ID].set(0.0)
    return {"token_ids": token_ids, "weights": weights}


def reference(token_ids, weights):
    # output = self.weights[token_ids]
    output = jnp.take(weights, token_ids, axis=0)
    # torch forward re-zeros pad row under no_grad; row is already zero,
    # so the lookup output is unaffected. Return lookup result.
    return output

if __name__ == "__main__":
    import jax
    _d = setup_inputs()
    print(jax.jit(kernel)(*tuple(_d.values())))

</pallas_src>

<mosaic_0001>
#map = affine_map<(d0, d1) -> (0, 0)>
#map1 = affine_map<(d0, d1) -> (0, 0, 0)>
module attributes {stable_mosaic.version = 14 : i64} {
  func.func @_body(%arg0: i32, %arg1: i32, %arg2: memref<6400x128xi32, #tpu.memory_space<hbm>>, %arg3: memref<100000x128xf32, #tpu.memory_space<hbm>>, %arg4: memref<6400x128x128xf32, #tpu.memory_space<hbm>>, %arg5: memref<200x128xi32, #tpu.memory_space<vmem>>, %arg6: memref<5x128x128xf32, #tpu.memory_space<vmem>>, %arg7: memref<!tpu.dma_semaphore, #tpu.memory_space<semaphore_mem>>, %arg8: memref<!tpu.dma_semaphore, #tpu.memory_space<semaphore_mem>>, %arg9: memref<!tpu.dma_semaphore, #tpu.memory_space<semaphore_mem>>, %arg10: memref<!tpu.dma_semaphore, #tpu.memory_space<semaphore_mem>>, %arg11: memref<!tpu.dma_semaphore, #tpu.memory_space<semaphore_mem>>, %arg12: memref<!tpu.dma_semaphore, #tpu.memory_space<semaphore_mem>>, %arg13: memref<!tpu.dma_semaphore, #tpu.memory_space<semaphore_mem>>, %arg14: memref<!tpu.dma_semaphore, #tpu.memory_space<semaphore_mem>>, %arg15: memref<!tpu.dma_semaphore, #tpu.memory_space<semaphore_mem>>, %arg16: memref<!tpu.dma_semaphore, #tpu.memory_space<semaphore_mem>>) attributes {dimension_semantics = [#tpu.dimension_semantics<core_parallel>, #tpu.dimension_semantics<subcore_parallel>], iteration_bounds = array<i64: 2, 16>, scalar_prefetch = 0 : i64, scratch_operands = 12 : i64, tpu.core_type = #tpu.core_type<sc_vector_subcore>, window_params = [{transform_indices = #map}, {transform_indices = #map}, {transform_indices = #map1}]} {
    %mul3A = arith.constant 2 : i32
    %mul3A_0 = arith.muli %arg1, %mul3A : i32
    %add3A = arith.addi %mul3A_0, %arg0 : i32
    %mul3A_1 = arith.constant 200 : i32
    %mul3A_2 = arith.muli %add3A, %mul3A_1 : i32
    "tpu.region"() ({
      %run_scoped3A = tpu.sem_alloc : memref<!tpu.dma_semaphore, #tpu.memory_space<semaphore_mem>>
      %dma_start3A_605 = arith.constant 0 : i32
      %dma_start3A_606 = tpu.memref_slice %arg2[%mul3A_2, %dma_start3A_605] : memref<6400x128xi32, #tpu.memory_space<hbm>> -> memref<200x128xi32, #tpu.memory_space<hbm>>
      %dma_start3A_607 = arith.constant 0 : i32
      %dma_start3A_608 = tpu.memref_slice %arg2[%mul3A_2, %dma_start3A_607] : memref<6400x128xi32, #tpu.memory_space<hbm>> -> memref<200x128xi32, #tpu.memory_space<hbm>>
      tpu.enqueue_dma source(%dma_start3A_608 : memref<200x128xi32, #tpu.memory_space<hbm>>) target(%arg5 : memref<200x128xi32, #tpu.memory_space<vmem>>) target_semaphore(%run_scoped3A : memref<!tpu.dma_semaphore, #tpu.memory_space<semaphore_mem>>)
      %dma_wait3A_609 = arith.constant 0 : i32
      %dma_wait3A_610 = tpu.memref_slice %arg2[%mul3A_2, %dma_wait3A_609] : memref<6400x128xi32, #tpu.memory_space<hbm>> -> memref<200x128xi32, #tpu.memory_space<hbm>>
      %dma_wait3A_611 = arith.constant 0 : i32
      %dma_wait3A_612 = tpu.memref_slice %arg2[%mul3A_2, %dma_wait3A_611] : memref<6400x128xi32, #tpu.memory_space<hbm>> -> memref<200x128xi32, #tpu.memory_space<hbm>>
      tpu.wait_dma2 semaphore(%run_scoped3A : memref<!tpu.dma_semaphore, #tpu.memory_space<semaphore_mem>>) src(%dma_wait3A_612 : memref<200x128xi32, #tpu.memory_space<hbm>>) dst(%arg5 : memref<200x128xi32, #tpu.memory_space<vmem>>)
      tpu.yield
    }) : () -> ()
    %dma_start3A = arith.constant 0 : i32
    %dma_start3A_3 = arith.constant 0 : i32
    %dma_start3A_4 = arith.constant 0 : i32
    %dma_start3A_5 = arith.constant 0 : i32
    %dma_start3A_6 = tpu.memref_slice %arg6[%dma_start3A_3, %dma_start3A_4, %dma_start3A_5] : memref<5x128x128xf32, #tpu.memory_space<vmem>> -> memref<1x128x128xf32, #tpu.memory_space<vmem>>
    %dma_start3A_7 = tpu.memref_squeeze %dma_start3A_6 : memref<1x128x128xf32, #tpu.memory_space<vmem>> -> memref<128x128xf32, #tpu.memory_space<vmem>>
    %dma_start3A_8 = arith.constant 0 : i32
    %dma_start3A_9 = tpu.memref_slice %arg5[%dma_start3A, %dma_start3A_8] : memref<200x128xi32, #tpu.memory_space<vmem>> -> memref<1x128xi32, #tpu.memory_space<vmem>>
    %dma_start3A_10 = tpu.memref_squeeze %dma_start3A_9 : memref<1x128xi32, #tpu.memory_space<vmem>> -> memref<128xi32, #tpu.memory_space<vmem>>
    %dma_start3A_11 = arith.constant 0 : i32
    %dma_start3A_12 = arith.constant 0 : i32
    %dma_start3A_13 = tpu.memref_slice %arg3[%dma_start3A_11, %dma_start3A_12] : memref<100000x128xf32, #tpu.memory_space<hbm>> -> memref<100000x128xf32, #tpu.memory_space<hbm>>
    tpu.enqueue_indirect_dma source(%dma_start3A_13 : memref<100000x128xf32, #tpu.memory_space<hbm>>) target(%dma_start3A_7 : memref<128x128xf32, #tpu.memory_space<vmem>>) offsets(%dma_start3A_10 : memref<128xi32, #tpu.memory_space<vmem>>) semaphore(%arg7 : memref<!tpu.dma_semaphore, #tpu.memory_space<semaphore_mem>>)
    %dma_start3A_14 = arith.constant 1 : i32
    %dma_start3A_15 = arith.constant 1 : i32
    %dma_start3A_16 = arith.constant 0 : i32
    %dma_start3A_17 = arith.constant 0 : i32
    %dma_start3A_18 = tpu.memref_slice %arg6[%dma_start3A_15, %dma_start3A_16, %dma_start3A_17] : memref<5x128x128xf32, #tpu.memory_space<vmem>> -> memref<1x128x128xf32, #tpu.memory_space<vmem>>
    %dma_start3A_19 = tpu.memref_squeeze %dma_start3A_18 : memref<1x128x128xf32, #tpu.memory_space<vmem>> -> memref<128x128xf32, #tpu.memory_space<vmem>>
    %dma_start3A_20 = arith.constant 0 : i32
    %dma_start3A_21 = tpu.memref_slice %arg5[%dma_start3A_14, %dma_start3A_20] : memref<200x128xi32, #tpu.memory_space<vmem>> -> memref<1x128xi32, #tpu.memory_space<vmem>>
    %dma_start3A_22 = tpu.memref_squeeze %dma_start3A_21 : memref<1x128xi32, #tpu.memory_space<vmem>> -> memref<128xi32, #tpu.memory_space<vmem>>
    %dma_start3A_23 = arith.constant 0 : i32
    %dma_start3A_24 = arith.constant 0 : i32
    %dma_start3A_25 = tpu.memref_slice %arg3[%dma_start3A_23, %dma_start3A_24] : memref<100000x128xf32, #tpu.memory_space<hbm>> -> memref<100000x128xf32, #tpu.memory_space<hbm>>
    tpu.enqueue_indirect_dma source(%dma_start3A_25 : memref<100000x128xf32, #tpu.memory_space<hbm>>) target(%dma_start3A_19 : memref<128x128xf32, #tpu.memory_space<vmem>>) offsets(%dma_start3A_22 : memref<128xi32, #tpu.memory_space<vmem>>) semaphore(%arg8 : memref<!tpu.dma_semaphore, #tpu.memory_space<semaphore_mem>>)
    %dma_start3A_26 = arith.constant 2 : i32
    %dma_start3A_27 = arith.constant 2 : i32
    %dma_start3A_28 = arith.constant 0 : i32
    %dma_start3A_29 = arith.constant 0 : i32
    %dma_start3A_30 = tpu.memref_slice %arg6[%dma_start3A_27, %dma_start3A_28, %dma_start3A_29] : memref<5x128x128xf32, #tpu.memory_space<vmem>> -> memref<1x128x128xf32, #tpu.memory_space<vmem>>
    %dma_start3A_31 = tpu.memref_squeeze %dma_start3A_30 : memref<1x128x128xf32, #tpu.memory_space<vmem>> -> memref<128x128xf32, #tpu.memory_space<vmem>>
    %dma_start3A_32 = arith.constant 0 : i32
    %dma_start3A_33 = tpu.memref_slice %arg5[%dma_start3A_26, %dma_start3A_32] : memref<200x128xi32, #tpu.memory_space<vmem>> -> memref<1x128xi32, #tpu.memory_space<vmem>>
    %dma_start3A_34 = tpu.memref_squeeze %dma_start3A_33 : memref<1x128xi32, #tpu.memory_space<vmem>> -> memref<128xi32, #tpu.memory_space<vmem>>
    %dma_start3A_35 = arith.constant 0 : i32
    %dma_start3A_36 = arith.constant 0 : i32
    %dma_start3A_37 = tpu.memref_slice %arg3[%dma_start3A_35, %dma_start3A_36] : memref<100000x128xf32, #tpu.memory_space<hbm>> -> memref<100000x128xf32, #tpu.memory_space<hbm>>
    tpu.enqueue_indirect_dma source(%dma_start3A_37 : memref<100000x128xf32, #tpu.memory_space<hbm>>) target(%dma_start3A_31 : memref<128x128xf32, #tpu.memory_space<vmem>>) offsets(%dma_start3A_34 : memref<128xi32, #tpu.memory_space<vmem>>) semaphore(%arg9 : memref<!tpu.dma_semaphore, #tpu.memory_space<semaphore_mem>>)
    %dma_wait3A = arith.constant 0 : i32
    %dma_wait3A_38 = arith.constant 0 : i32
    %dma_wait3A_39 = arith.constant 0 : i32
    %dma_wait3A_40 = arith.constant 0 : i32
    %dma_wait3A_41 = tpu.memref_slice %arg6[%dma_wait3A_38, %dma_wait3A_39, %dma_wait3A_40] : memref<5x128x128xf32, #tpu.memory_space<vmem>> -> memref<1x128x128xf32, #tpu.memory_space<vmem>>
    %dma_wait3A_42 = tpu.memref_squeeze %dma_wait3A_41 : memref<1x128x128xf32, #tpu.memory_space<vmem>> -> memref<128x128xf32, #tpu.memory_space<vmem>>
    %dma_wait3A_43 = arith.constant 0 : i32
    %dma_wait3A_44 = tpu.memref_slice %arg5[%dma_wait3A, %dma_wait3A_43] : memref<200x128xi32, #tpu.memory_space<vmem>> -> memref<1x128xi32, #tpu.memory_space<vmem>>
    %dma_wait3A_45 = tpu.memref_squeeze %dma_wait3A_44 : memref<1x128xi32, #tpu.memory_space<vmem>> -> memref<128xi32, #tpu.memory_space<vmem>>
    %dma_wait3A_46 = arith.constant 0 : i32
    %dma_wait3A_47 = arith.constant 0 : i32
    %dma_wait3A_48 = tpu.memref_slice %arg3[%dma_wait3A_46, %dma_wait3A_47] : memref<100000x128xf32, #tpu.memory_space<hbm>> -> memref<100000x128xf32, #tpu.memory_space<hbm>>
    tpu.wait_indirect_dma semaphore(%arg7 : memref<!tpu.dma_semaphore, #tpu.memory_space<semaphore_mem>>) src(%dma_wait3A_48 : memref<100000x128xf32, #tpu.memory_space<hbm>>) dst(%dma_wait3A_42 : memref<128x128xf32, #tpu.memory_space<vmem>>)
    %add3A_49 = arith.constant 0 : i32
    %add3A_50 = arith.addi %mul3A_2, %add3A_49 : i32
    %dma_start3A_51 = arith.constant 0 : i32
    %dma_start3A_52 = arith.constant 0 : i32
    %dma_start3A_53 = arith.constant 0 : i32
    %dma_start3A_54 = tpu.memref_slice %arg6[%dma_start3A_51, %dma_start3A_52, %dma_start3A_53] : memref<5x128x128xf32, #tpu.memory_space<vmem>> -> memref<1x128x128xf32, #tpu.memory_space<vmem>>
    %dma_start3A_55 = tpu.memref_squeeze %dma_start3A_54 : memref<1x128x128xf32, #tpu.memory_space<vmem>> -> memref<128x128xf32, #tpu.memory_space<vmem>>
    %dma_start3A_56 = arith.constant 0 : i32
    %dma_start3A_57 = arith.constant 0 : i32
    %dma_start3A_58 = tpu.memref_slice %arg4[%add3A_50, %dma_start3A_56, %dma_start3A_57] : memref<6400x128x128xf32, #tpu.memory_space<hbm>> -> memref<1x128x128xf32, #tpu.memory_space<hbm>>
    %dma_start3A_59 = tpu.memref_squeeze %dma_start3A_58 : memref<1x128x128xf32, #tpu.memory_space<hbm>> -> memref<128x128xf32, #tpu.memory_space<hbm>>
    %dma_start3A_60 = arith.constant 0 : i32
    %dma_start3A_61 = arith.constant 0 : i32
    %dma_start3A_62 = tpu.memref_slice %arg4[%add3A_50, %dma_start3A_60, %dma_start3A_61] : memref<6400x128x128xf32, #tpu.memory_space<hbm>> -> memref<1x128x128xf32, #tpu.memory_space<hbm>>
    %dma_start3A_63 = tpu.memref_squeeze %dma_start3A_62 : memref<1x128x128xf32, #tpu.memory_space<hbm>> -> memref<128x128xf32, #tpu.memory_space<hbm>>
    %dma_start3A_64 = arith.constant 0 : i32
    %dma_start3A_65 = arith.constant 0 : i32
    %dma_start3A_66 = tpu.memref_slice %arg6[%dma_start3A_51, %dma_start3A_64, %dma_start3A_65] : memref<5x128x128xf32, #tpu.memory_space<vmem>> -> memref<1x128x128xf32, #tpu.memory_space<vmem>>
    %dma_start3A_67 = tpu.memref_squeeze %dma_start3A_66 : memref<1x128x128xf32, #tpu.memory_space<vmem>> -> memref<128x128xf32, #tpu.memory_space<vmem>>
    tpu.enqueue_dma source(%dma_start3A_67 : memref<128x128xf32, #tpu.memory_space<vmem>>) target(%dma_start3A_63 : memref<128x128xf32, #tpu.memory_space<hbm>>) target_semaphore(%arg12 : memref<!tpu.dma_semaphore, #tpu.memory_space<semaphore_mem>>)
    %dma_start3A_68 = arith.constant 3 : i32
    %dma_start3A_69 = arith.constant 3 : i32
    %dma_start3A_70 = arith.constant 0 : i32
    %dma_start3A_71 = arith.constant 0 : i32
    %dma_start3A_72 = tpu.memref_slice %arg6[%dma_start3A_69, %dma_start3A_70, %dma_start3A_71] : memref<5x128x128xf32, #tpu.memory_space<vmem>> -> memref<1x128x128xf32, #tpu.memory_space<vmem>>
    %dma_start3A_73 = tpu.memref_squeeze %dma_start3A_72 : memref<1x128x128xf32, #tpu.memory_space<vmem>> -> memref<128x128xf32, #tpu.memory_space<vmem>>
    %dma_start3A_74 = arith.constant 0 : i32
    %dma_start3A_75 = tpu.memref_slice %arg5[%dma_start3A_68, %dma_start3A_74] : memref<200x128xi32, #tpu.memory_space<vmem>> -> memref<1x128xi32, #tpu.memory_space<vmem>>
    %dma_start3A_76 = tpu.memref_squeeze %dma_start3A_75 : memref<1x128xi32, #tpu.memory_space<vmem>> -> memref<128xi32, #tpu.memory_space<vmem>>
    %dma_start3A_77 = arith.constant 0 : i32
    %dma_start3A_78 = arith.constant 0 : i32
    %dma_start3A_79 = tpu.memref_slice %arg3[%dma_start3A_77, %dma_start3A_78] : memref<100000x128xf32, #tpu.memory_space<hbm>> -> memref<100000x128xf32, #tpu.memory_space<hbm>>
    tpu.enqueue_indirect_dma source(%dma_start3A_79 : memref<100000x128xf32, #tpu.memory_space<hbm>>) target(%dma_start3A_73 : memref<128x128xf32, #tpu.memory_space<vmem>>) offsets(%dma_start3A_76 : memref<128xi32, #tpu.memory_space<vmem>>) semaphore(%arg10 : memref<!tpu.dma_semaphore, #tpu.memory_space<semaphore_mem>>)
    %dma_wait3A_80 = arith.constant 1 : i32
    %dma_wait3A_81 = arith.constant 1 : i32
    %dma_wait3A_82 = arith.constant 0 : i32
    %dma_wait3A_83 = arith.constant 0 : i32
    %dma_wait3A_84 = tpu.memref_slice %arg6[%dma_wait3A_81, %dma_wait3A_82, %dma_wait3A_83] : memref<5x128x128xf32, #tpu.memory_space<vmem>> -> memref<1x128x128xf32, #tpu.memory_space<vmem>>
    %dma_wait3A_85 = tpu.memref_squeeze %dma_wait3A_84 : memref<1x128x128xf32, #tpu.memory_space<vmem>> -> memref<128x128xf32, #tpu.memory_space<vmem>>
    %dma_wait3A_86 = arith.constant 0 : i32
    %dma_wait3A_87 = tpu.memref_slice %arg5[%dma_wait3A_80, %dma_wait3A_86] : memref<200x128xi32, #tpu.memory_space<vmem>> -> memref<1x128xi32, #tpu.memory_space<vmem>>
    %dma_wait3A_88 = tpu.memref_squeeze %dma_wait3A_87 : memref<1x128xi32, #tpu.memory_space<vmem>> -> memref<128xi32, #tpu.memory_space<vmem>>
    %dma_wait3A_89 = arith.constant 0 : i32
    %dma_wait3A_90 = arith.constant 0 : i32
    %dma_wait3A_91 = tpu.memref_slice %arg3[%dma_wait3A_89, %dma_wait3A_90] : memref<100000x128xf32, #tpu.memory_space<hbm>> -> memref<100000x128xf32, #tpu.memory_space<hbm>>
    tpu.wait_indirect_dma semaphore(%arg8 : memref<!tpu.dma_semaphore, #tpu.memory_space<semaphore_mem>>) src(%dma_wait3A_91 : memref<100000x128xf32, #tpu.memory_space<hbm>>) dst(%dma_wait3A_85 : memref<128x128xf32, #tpu.memory_space<vmem>>)
    %add3A_92 = arith.constant 1 : i32
    %add3A_93 = arith.addi %mul3A_2, %add3A_92 : i32
    %dma_start3A_94 = arith.constant 1 : i32
    %dma_start3A_95 = arith.constant 0 : i32
    %dma_start3A_96 = arith.constant 0 : i32
    %dma_start3A_97 = tpu.memref_slice %arg6[%dma_start3A_94, %dma_start3A_95, %dma_start3A_96] : memref<5x128x128xf32, #tpu.memory_space<vmem>> -> memref<1x128x128xf32, #tpu.memory_space<vmem>>
    %dma_start3A_98 = tpu.memref_squeeze %dma_start3A_97 : memref<1x128x128xf32, #tpu.memory_space<vmem>> -> memref<128x128xf32, #tpu.memory_space<vmem>>
    %dma_start3A_99 = arith.constant 0 : i32
    %dma_start3A_100 = arith.constant 0 : i32
    %dma_start3A_101 = tpu.memref_slice %arg4[%add3A_93, %dma_start3A_99, %dma_start3A_100] : memref<6400x128x128xf32, #tpu.memory_space<hbm>> -> memref<1x128x128xf32, #tpu.memory_space<hbm>>
    %dma_start3A_102 = tpu.memref_squeeze %dma_start3A_101 : memref<1x128x128xf32, #tpu.memory_space<hbm>> -> memref<128x128xf32, #tpu.memory_space<hbm>>
    %dma_start3A_103 = arith.constant 0 : i32
    %dma_start3A_104 = arith.constant 0 : i32
    %dma_start3A_105 = tpu.memref_slice %arg4[%add3A_93, %dma_start3A_103, %dma_start3A_104] : memref<6400x128x128xf32, #tpu.memory_space<hbm>> -> memref<1x128x128xf32, #tpu.memory_space<hbm>>
    %dma_start3A_106 = tpu.memref_squeeze %dma_start3A_105 : memref<1x128x128xf32, #tpu.memory_space<hbm>> -> memref<128x128xf32, #tpu.memory_space<hbm>>
    %dma_start3A_107 = arith.constant 0 : i32
    %dma_start3A_108 = arith.constant 0 : i32
    %dma_start3A_109 = tpu.memref_slice %arg6[%dma_start3A_94, %dma_start3A_107, %dma_start3A_108] : memref<5x128x128xf32, #tpu.memory_space<vmem>> -> memref<1x128x128xf32, #tpu.memory_space<vmem>>
    %dma_start3A_110 = tpu.memref_squeeze %dma_start3A_109 : memref<1x128x128xf32, #tpu.memory_space<vmem>> -> memref<128x128xf32, #tpu.memory_space<vmem>>
    tpu.enqueue_dma source(%dma_start3A_110 : memref<128x128xf32, #tpu.memory_space<vmem>>) target(%dma_start3A_106 : memref<128x128xf32, #tpu.memory_space<hbm>>) target_semaphore(%arg13 : memref<!tpu.dma_semaphore, #tpu.memory_space<semaphore_mem>>)
    %dma_start3A_111 = arith.constant 4 : i32
    %dma_start3A_112 = arith.constant 4 : i32
    %dma_start3A_113 = arith.constant 0 : i32
    %dma_start3A_114 = arith.constant 0 : i32
    %dma_start3A_115 = tpu.memref_slice %arg6[%dma_start3A_112, %dma_start3A_113, %dma_start3A_114] : memref<5x128x128xf32, #tpu.memory_space<vmem>> -> memref<1x128x128xf32, #tpu.memory_space<vmem>>
    %dma_start3A_116 = tpu.memref_squeeze %dma_start3A_115 : memref<1x128x128xf32, #tpu.memory_space<vmem>> -> memref<128x128xf32, #tpu.memory_space<vmem>>
    %dma_start3A_117 = arith.constant 0 : i32
    %dma_start3A_118 = tpu.memref_slice %arg5[%dma_start3A_111, %dma_start3A_117] : memref<200x128xi32, #tpu.memory_space<vmem>> -> memref<1x128xi32, #tpu.memory_space<vmem>>
    %dma_start3A_119 = tpu.memref_squeeze %dma_start3A_118 : memref<1x128xi32, #tpu.memory_space<vmem>> -> memref<128xi32, #tpu.memory_space<vmem>>
    %dma_start3A_120 = arith.constant 0 : i32
    %dma_start3A_121 = arith.constant 0 : i32
    %dma_start3A_122 = tpu.memref_slice %arg3[%dma_start3A_120, %dma_start3A_121] : memref<100000x128xf32, #tpu.memory_space<hbm>> -> memref<100000x128xf32, #tpu.memory_space<hbm>>
    tpu.enqueue_indirect_dma source(%dma_start3A_122 : memref<100000x128xf32, #tpu.memory_space<hbm>>) target(%dma_start3A_116 : memref<128x128xf32, #tpu.memory_space<vmem>>) offsets(%dma_start3A_119 : memref<128xi32, #tpu.memory_space<vmem>>) semaphore(%arg11 : memref<!tpu.dma_semaphore, #tpu.memory_space<semaphore_mem>>)
    %dma_wait3A_123 = arith.constant 2 : i32
    %dma_wait3A_124 = arith.constant 2 : i32
    %dma_wait3A_125 = arith.constant 0 : i32
    %dma_wait3A_126 = arith.constant 0 : i32
    %dma_wait3A_127 = tpu.memref_slice %arg6[%dma_wait3A_124, %dma_wait3A_125, %dma_wait3A_126] : memref<5x128x128xf32, #tpu.memory_space<vmem>> -> memref<1x128x128xf32, #tpu.memory_space<vmem>>
    %dma_wait3A_128 = tpu.memref_squeeze %dma_wait3A_127 : memref<1x128x128xf32, #tpu.memory_space<vmem>> -> memref<128x128xf32, #tpu.memory_space<vmem>>
    %dma_wait3A_129 = arith.constant 0 : i32
    %dma_wait3A_130 = tpu.memref_slice %arg5[%dma_wait3A_123, %dma_wait3A_129] : memref<200x128xi32, #tpu.memory_space<vmem>> -> memref<1x128xi32, #tpu.memory_space<vmem>>
    %dma_wait3A_131 = tpu.memref_squeeze %dma_wait3A_130 : memref<1x128xi32, #tpu.memory_space<vmem>> -> memref<128xi32, #tpu.memory_space<vmem>>
    %dma_wait3A_132 = arith.constant 0 : i32
    %dma_wait3A_133 = arith.constant 0 : i32
    %dma_wait3A_134 = tpu.memref_slice %arg3[%dma_wait3A_132, %dma_wait3A_133] : memref<100000x128xf32, #tpu.memory_space<hbm>> -> memref<100000x128xf32, #tpu.memory_space<hbm>>
    tpu.wait_indirect_dma semaphore(%arg9 : memref<!tpu.dma_semaphore, #tpu.memory_space<semaphore_mem>>) src(%dma_wait3A_134 : memref<100000x128xf32, #tpu.memory_space<hbm>>) dst(%dma_wait3A_128 : memref<128x128xf32, #tpu.memory_space<vmem>>)
    %add3A_135 = arith.constant 2 : i32
    %add3A_136 = arith.addi %mul3A_2, %add3A_135 : i32
    %dma_start3A_137 = arith.constant 2 : i32
    %dma_start3A_138 = arith.constant 0 : i32
    %dma_start3A_139 = arith.constant 0 : i32
    %dma_start3A_140 = tpu.memref_slice %arg6[%dma_start3A_137, %dma_start3A_138, %dma_start3A_139] : memref<5x128x128xf32, #tpu.memory_space<vmem>> -> memref<1x128x128xf32, #tpu.memory_space<vmem>>
    %dma_start3A_141 = tpu.memref_squeeze %dma_start3A_140 : memref<1x128x128xf32, #tpu.memory_space<vmem>> -> memref<128x128xf32, #tpu.memory_space<vmem>>
    %dma_start3A_142 = arith.constant 0 : i32
    %dma_start3A_143 = arith.constant 0 : i32
    %dma_start3A_144 = tpu.memref_slice %arg4[%add3A_136, %dma_start3A_142, %dma_start3A_143] : memref<6400x128x128xf32, #tpu.memory_space<hbm>> -> memref<1x128x128xf32, #tpu.memory_space<hbm>>
    %dma_start3A_145 = tpu.memref_squeeze %dma_start3A_144 : memref<1x128x128xf32, #tpu.memory_space<hbm>> -> memref<128x128xf32, #tpu.memory_space<hbm>>
    %dma_start3A_146 = arith.constant 0 : i32
    %dma_start3A_147 = arith.constant 0 : i32
    %dma_start3A_148 = tpu.memref_slice %arg4[%add3A_136, %dma_start3A_146, %dma_start3A_147] : memref<6400x128x128xf32, #tpu.memory_space<hbm>> -> memref<1x128x128xf32, #tpu.memory_space<hbm>>
    %dma_start3A_149 = tpu.memref_squeeze %dma_start3A_148 : memref<1x128x128xf32, #tpu.memory_space<hbm>> -> memref<128x128xf32, #tpu.memory_space<hbm>>
    %dma_start3A_150 = arith.constant 0 : i32
    %dma_start3A_151 = arith.constant 0 : i32
    %dma_start3A_152 = tpu.memref_slice %arg6[%dma_start3A_137, %dma_start3A_150, %dma_start3A_151] : memref<5x128x128xf32, #tpu.memory_space<vmem>> -> memref<1x128x128xf32, #tpu.memory_space<vmem>>
    %dma_start3A_153 = tpu.memref_squeeze %dma_start3A_152 : memref<1x128x128xf32, #tpu.memory_space<vmem>> -> memref<128x128xf32, #tpu.memory_space<vmem>>
    tpu.enqueue_dma source(%dma_start3A_153 : memref<128x128xf32, #tpu.memory_space<vmem>>) target(%dma_start3A_149 : memref<128x128xf32, #tpu.memory_space<hbm>>) target_semaphore(%arg14 : memref<!tpu.dma_semaphore, #tpu.memory_space<semaphore_mem>>)
    %dma_wait3A_154 = arith.constant 0 : i32
    %dma_wait3A_155 = arith.constant 0 : i32
    %dma_wait3A_156 = arith.constant 0 : i32
    %dma_wait3A_157 = tpu.memref_slice %arg6[%dma_wait3A_154, %dma_wait3A_155, %dma_wait3A_156] : memref<5x128x128xf32, #tpu.memory_space<vmem>> -> memref<1x128x128xf32, #tpu.memory_space<vmem>>
    %dma_wait3A_158 = tpu.memref_squeeze %dma_wait3A_157 : memref<1x128x128xf32, #tpu.memory_space<vmem>> -> memref<128x128xf32, #tpu.memory_space<vmem>>
    %dma_wait3A_159 = arith.constant 0 : i32
    %dma_wait3A_160 = arith.constant 0 : i32
    %dma_wait3A_161 = tpu.memref_slice %arg4[%mul3A_2, %dma_wait3A_159, %dma_wait3A_160] : memref<6400x128x128xf32, #tpu.memory_space<hbm>> -> memref<1x128x128xf32, #tpu.memory_space<hbm>>
    %dma_wait3A_162 = tpu.memref_squeeze %dma_wait3A_161 : memref<1x128x128xf32, #tpu.memory_space<hbm>> -> memref<128x128xf32, #tpu.memory_space<hbm>>
    %dma_wait3A_163 = arith.constant 0 : i32
    %dma_wait3A_164 = arith.constant 0 : i32
    %dma_wait3A_165 = tpu.memref_slice %arg4[%mul3A_2, %dma_wait3A_163, %dma_wait3A_164] : memref<6400x128x128xf32, #tpu.memory_space<hbm>> -> memref<1x128x128xf32, #tpu.memory_space<hbm>>
    %dma_wait3A_166 = tpu.memref_squeeze %dma_wait3A_165 : memref<1x128x128xf32, #tpu.memory_space<hbm>> -> memref<128x128xf32, #tpu.memory_space<hbm>>
    %dma_wait3A_167 = arith.constant 0 : i32
    %dma_wait3A_168 = arith.constant 0 : i32
    %dma_wait3A_169 = tpu.memref_slice %arg6[%dma_wait3A_154, %dma_wait3A_167, %dma_wait3A_168] : memref<5x128x128xf32, #tpu.memory_space<vmem>> -> memref<1x128x128xf32, #tpu.memory_space<vmem>>
    %dma_wait3A_170 = tpu.memref_squeeze %dma_wait3A_169 : memref<1x128x128xf32, #tpu.memory_space<vmem>> -> memref<128x128xf32, #tpu.memory_space<vmem>>
    tpu.wait_dma2 semaphore(%arg12 : memref<!tpu.dma_semaphore, #tpu.memory_space<semaphore_mem>>) src(%dma_wait3A_170 : memref<128x128xf32, #tpu.memory_space<vmem>>) dst(%dma_wait3A_166 : memref<128x128xf32, #tpu.memory_space<hbm>>)
    %dma_start3A_171 = arith.constant 5 : i32
    %dma_start3A_172 = arith.constant 0 : i32
    %dma_start3A_173 = arith.constant 0 : i32
    %dma_start3A_174 = arith.constant 0 : i32
    %dma_start3A_175 = tpu.memref_slice %arg6[%dma_start3A_172, %dma_start3A_173, %dma_start3A_174] : memref<5x128x128xf32, #tpu.memory_space<vmem>> -> memref<1x128x128xf32, #tpu.memory_space<vmem>>
    %dma_start3A_176 = tpu.memref_squeeze %dma_start3A_175 : memref<1x128x128xf32, #tpu.memory_space<vmem>> -> memref<128x128xf32, #tpu.memory_space<vmem>>
    %dma_start3A_177 = arith.constant 0 : i32
    %dma_start3A_178 = tpu.memref_slice %arg5[%dma_start3A_171, %dma_start3A_177] : memref<200x128xi32, #tpu.memory_space<vmem>> -> memref<1x128xi32, #tpu.memory_space<vmem>>
    %dma_start3A_179 = tpu.memref_squeeze %dma_start3A_178 : memref<1x128xi32, #tpu.memory_space<vmem>> -> memref<128xi32, #tpu.memory_space<vmem>>
    %dma_start3A_180 = arith.constant 0 : i32
    %dma_start3A_181 = arith.constant 0 : i32
    %dma_start3A_182 = tpu.memref_slice %arg3[%dma_start3A_180, %dma_start3A_181] : memref<100000x128xf32, #tpu.memory_space<hbm>> -> memref<100000x128xf32, #tpu.memory_space<hbm>>
    tpu.enqueue_indirect_dma source(%dma_start3A_182 : memref<100000x128xf32, #tpu.memory_space<hbm>>) target(%dma_start3A_176 : memref<128x128xf32, #tpu.memory_space<vmem>>) offsets(%dma_start3A_179 : memref<128xi32, #tpu.memory_space<vmem>>) semaphore(%arg7 : memref<!tpu.dma_semaphore, #tpu.memory_space<semaphore_mem>>)
    %dma_wait3A_183 = arith.constant 3 : i32
    %dma_wait3A_184 = arith.constant 3 : i32
    %dma_wait3A_185 = arith.constant 0 : i32
    %dma_wait3A_186 = arith.constant 0 : i32
    %dma_wait3A_187 = tpu.memref_slice %arg6[%dma_wait3A_184, %dma_wait3A_185, %dma_wait3A_186] : memref<5x128x128xf32, #tpu.memory_space<vmem>> -> memref<1x128x128xf32, #tpu.memory_space<vmem>>
    %dma_wait3A_188 = tpu.memref_squeeze %dma_wait3A_187 : memref<1x128x128xf32, #tpu.memory_space<vmem>> -> memref<128x128xf32, #tpu.memory_space<vmem>>
    %dma_wait3A_189 = arith.constant 0 : i32
    %dma_wait3A_190 = tpu.memref_slice %arg5[%dma_wait3A_183, %dma_wait3A_189] : memref<200x128xi32, #tpu.memory_space<vmem>> -> memref<1x128xi32, #tpu.memory_space<vmem>>
    %dma_wait3A_191 = tpu.memref_squeeze %dma_wait3A_190 : memref<1x128xi32, #tpu.memory_space<vmem>> -> memref<128xi32, #tpu.memory_space<vmem>>
    %dma_wait3A_192 = arith.constant 0 : i32
    %dma_wait3A_193 = arith.constant 0 : i32
    %dma_wait3A_194 = tpu.memref_slice %arg3[%dma_wait3A_192, %dma_wait3A_193] : memref<100000x128xf32, #tpu.memory_space<hbm>> -> memref<100000x128xf32, #tpu.memory_space<hbm>>
    tpu.wait_indirect_dma semaphore(%arg10 : memref<!tpu.dma_semaphore, #tpu.memory_space<semaphore_mem>>) src(%dma_wait3A_194 : memref<100000x128xf32, #tpu.memory_space<hbm>>) dst(%dma_wait3A_188 : memref<128x128xf32, #tpu.memory_space<vmem>>)
    %add3A_195 = arith.constant 3 : i32
    %add3A_196 = arith.addi %mul3A_2, %add3A_195 : i32
    %dma_start3A_197 = arith.constant 3 : i32
    %dma_start3A_198 = arith.constant 0 : i32
    %dma_start3A_199 = arith.constant 0 : i32
    %dma_start3A_200 = tpu.memref_slice %arg6[%dma_start3A_197, %dma_start3A_198, %dma_start3A_199] : memref<5x128x128xf32, #tpu.memory_space<vmem>> -> memref<1x128x128xf32, #tpu.memory_space<vmem>>
    %dma_start3A_201 = tpu.memref_squeeze %dma_start3A_200 : memref<1x128x128xf32, #tpu.memory_space<vmem>> -> memref<128x128xf32, #tpu.memory_space<vmem>>
    %dma_start3A_202 = arith.constant 0 : i32
    %dma_start3A_203 = arith.constant 0 : i32
    %dma_start3A_204 = tpu.memref_slice %arg4[%add3A_196, %dma_start3A_202, %dma_start3A_203] : memref<6400x128x128xf32, #tpu.memory_space<hbm>> -> memref<1x128x128xf32, #tpu.memory_space<hbm>>
    %dma_start3A_205 = tpu.memref_squeeze %dma_start3A_204 : memref<1x128x128xf32, #tpu.memory_space<hbm>> -> memref<128x128xf32, #tpu.memory_space<hbm>>
    %dma_start3A_206 = arith.constant 0 : i32
    %dma_start3A_207 = arith.constant 0 : i32
    %dma_start3A_208 = tpu.memref_slice %arg4[%add3A_196, %dma_start3A_206, %dma_start3A_207] : memref<6400x128x128xf32, #tpu.memory_space<hbm>> -> memref<1x128x128xf32, #tpu.memory_space<hbm>>
    %dma_start3A_209 = tpu.memref_squeeze %dma_start3A_208 : memref<1x128x128xf32, #tpu.memory_space<hbm>> -> memref<128x128xf32, #tpu.memory_space<hbm>>
    %dma_start3A_210 = arith.constant 0 : i32
    %dma_start3A_211 = arith.constant 0 : i32
    %dma_start3A_212 = tpu.memref_slice %arg6[%dma_start3A_197, %dma_start3A_210, %dma_start3A_211] : memref<5x128x128xf32, #tpu.memory_space<vmem>> -> memref<1x128x128xf32, #tpu.memory_space<vmem>>
    %dma_start3A_213 = tpu.memref_squeeze %dma_start3A_212 : memref<1x128x128xf32, #tpu.memory_space<vmem>> -> memref<128x128xf32, #tpu.memory_space<vmem>>
    tpu.enqueue_dma source(%dma_start3A_213 : memref<128x128xf32, #tpu.memory_space<vmem>>) target(%dma_start3A_209 : memref<128x128xf32, #tpu.memory_space<hbm>>) target_semaphore(%arg15 : memref<!tpu.dma_semaphore, #tpu.memory_space<semaphore_mem>>)
    %dma_wait3A_214 = arith.constant 1 : i32
    %dma_wait3A_215 = arith.constant 0 : i32
    %dma_wait3A_216 = arith.constant 0 : i32
    %dma_wait3A_217 = tpu.memref_slice %arg6[%dma_wait3A_214, %dma_wait3A_215, %dma_wait3A_216] : memref<5x128x128xf32, #tpu.memory_space<vmem>> -> memref<1x128x128xf32, #tpu.memory_space<vmem>>
    %dma_wait3A_218 = tpu.memref_squeeze %dma_wait3A_217 : memref<1x128x128xf32, #tpu.memory_space<vmem>> -> memref<128x128xf32, #tpu.memory_space<vmem>>
    %dma_wait3A_219 = arith.constant 0 : i32
    %dma_wait3A_220 = arith.constant 0 : i32
    %dma_wait3A_221 = tpu.memref_slice %arg4[%mul3A_2, %dma_wait3A_219, %dma_wait3A_220] : memref<6400x128x128xf32, #tpu.memory_space<hbm>> -> memref<1x128x128xf32, #tpu.memory_space<hbm>>
    %dma_wait3A_222 = tpu.memref_squeeze %dma_wait3A_221 : memref<1x128x128xf32, #tpu.memory_space<hbm>> -> memref<128x128xf32, #tpu.memory_space<hbm>>
    %dma_wait3A_223 = arith.constant 0 : i32
    %dma_wait3A_224 = arith.constant 0 : i32
    %dma_wait3A_225 = tpu.memref_slice %arg4[%mul3A_2, %dma_wait3A_223, %dma_wait3A_224] : memref<6400x128x128xf32, #tpu.memory_space<hbm>> -> memref<1x128x128xf32, #tpu.memory_space<hbm>>
    %dma_wait3A_226 = tpu.memref_squeeze %dma_wait3A_225 : memref<1x128x128xf32, #tpu.memory_space<hbm>> -> memref<128x128xf32, #tpu.memory_space<hbm>>
    %dma_wait3A_227 = arith.constant 0 : i32
    %dma_wait3A_228 = arith.constant 0 : i32
    %dma_wait3A_229 = tpu.memref_slice %arg6[%dma_wait3A_214, %dma_wait3A_227, %dma_wait3A_228] : memref<5x128x128xf32, #tpu.memory_space<vmem>> -> memref<1x128x128xf32, #tpu.memory_space<vmem>>
    %dma_wait3A_230 = tpu.memref_squeeze %dma_wait3A_229 : memref<1x128x128xf32, #tpu.memory_space<vmem>> -> memref<128x128xf32, #tpu.memory_space<vmem>>
    tpu.wait_dma2 semaphore(%arg13 : memref<!tpu.dma_semaphore, #tpu.memory_space<semaphore_mem>>) src(%dma_wait3A_230 : memref<128x128xf32, #tpu.memory_space<vmem>>) dst(%dma_wait3A_226 : memref<128x128xf32, #tpu.memory_space<hbm>>)
    %dma_start3A_231 = arith.constant 6 : i32
    %dma_start3A_232 = arith.constant 1 : i32
    %dma_start3A_233 = arith.constant 0 : i32
    %dma_start3A_234 = arith.constant 0 : i32
    %dma_start3A_235 = tpu.memref_slice %arg6[%dma_start3A_232, %dma_start3A_233, %dma_start3A_234] : memref<5x128x128xf32, #tpu.memory_space<vmem>> -> memref<1x128x128xf32, #tpu.memory_space<vmem>>
    %dma_start3A_236 = tpu.memref_squeeze %dma_start3A_235 : memref<1x128x128xf32, #tpu.memory_space<vmem>> -> memref<128x128xf32, #tpu.memory_space<vmem>>
    %dma_start3A_237 = arith.constant 0 : i32
    %dma_start3A_238 = tpu.memref_slice %arg5[%dma_start3A_231, %dma_start3A_237] : memref<200x128xi32, #tpu.memory_space<vmem>> -> memref<1x128xi32, #tpu.memory_space<vmem>>
    %dma_start3A_239 = tpu.memref_squeeze %dma_start3A_238 : memref<1x128xi32, #tpu.memory_space<vmem>> -> memref<128xi32, #tpu.memory_space<vmem>>
    %dma_start3A_240 = arith.constant 0 : i32
    %dma_start3A_241 = arith.constant 0 : i32
    %dma_start3A_242 = tpu.memref_slice %arg3[%dma_start3A_240, %dma_start3A_241] : memref<100000x128xf32, #tpu.memory_space<hbm>> -> memref<100000x128xf32, #tpu.memory_space<hbm>>
    tpu.enqueue_indirect_dma source(%dma_start3A_242 : memref<100000x128xf32, #tpu.memory_space<hbm>>) target(%dma_start3A_236 : memref<128x128xf32, #tpu.memory_space<vmem>>) offsets(%dma_start3A_239 : memref<128xi32, #tpu.memory_space<vmem>>) semaphore(%arg8 : memref<!tpu.dma_semaphore, #tpu.memory_space<semaphore_mem>>)
    %dma_wait3A_243 = arith.constant 4 : i32
    %dma_wait3A_244 = arith.constant 4 : i32
    %dma_wait3A_245 = arith.constant 0 : i32
    %dma_wait3A_246 = arith.constant 0 : i32
    %dma_wait3A_247 = tpu.memref_slice %arg6[%dma_wait3A_244, %dma_wait3A_245, %dma_wait3A_246] : memref<5x128x128xf32, #tpu.memory_space<vmem>> -> memref<1x128x128xf32, #tpu.memory_space<vmem>>
    %dma_wait3A_248 = tpu.memref_squeeze %dma_wait3A_247 : memref<1x128x128xf32, #tpu.memory_space<vmem>> -> memref<128x128xf32, #tpu.memory_space<vmem>>
    %dma_wait3A_249 = arith.constant 0 : i32
    %dma_wait3A_250 = tpu.memref_slice %arg5[%dma_wait3A_243, %dma_wait3A_249] : memref<200x128xi32, #tpu.memory_space<vmem>> -> memref<1x128xi32, #tpu.memory_space<vmem>>
    %dma_wait3A_251 = tpu.memref_squeeze %dma_wait3A_250 : memref<1x128xi32, #tpu.memory_space<vmem>> -> memref<128xi32, #tpu.memory_space<vmem>>
    %dma_wait3A_252 = arith.constant 0 : i32
    %dma_wait3A_253 = arith.constant 0 : i32
    %dma_wait3A_254 = tpu.memref_slice %arg3[%dma_wait3A_252, %dma_wait3A_253] : memref<100000x128xf32, #tpu.memory_space<hbm>> -> memref<100000x128xf32, #tpu.memory_space<hbm>>
    tpu.wait_indirect_dma semaphore(%arg11 : memref<!tpu.dma_semaphore, #tpu.memory_space<semaphore_mem>>) src(%dma_wait3A_254 : memref<100000x128xf32, #tpu.memory_space<hbm>>) dst(%dma_wait3A_248 : memref<128x128xf32, #tpu.memory_space<vmem>>)
    %add3A_255 = arith.constant 4 : i32
    %add3A_256 = arith.addi %mul3A_2, %add3A_255 : i32
    %dma_start3A_257 = arith.constant 4 : i32
    %dma_start3A_258 = arith.constant 0 : i32
    %dma_start3A_259 = arith.constant 0 : i32
    %dma_start3A_260 = tpu.memref_slice %arg6[%dma_start3A_257, %dma_start3A_258, %dma_start3A_259] : memref<5x128x128xf32, #tpu.memory_space<vmem>> -> memref<1x128x128xf32, #tpu.memory_space<vmem>>
    %dma_start3A_261 = tpu.memref_squeeze %dma_start3A_260 : memref<1x128x128xf32, #tpu.memory_space<vmem>> -> memref<128x128xf32, #tpu.memory_space<vmem>>
    %dma_start3A_262 = arith.constant 0 : i32
    %dma_start3A_263 = arith.constant 0 : i32
    %dma_start3A_264 = tpu.memref_slice %arg4[%add3A_256, %dma_start3A_262, %dma_start3A_263] : memref<6400x128x128xf32, #tpu.memory_space<hbm>> -> memref<1x128x128xf32, #tpu.memory_space<hbm>>
    %dma_start3A_265 = tpu.memref_squeeze %dma_start3A_264 : memref<1x128x128xf32, #tpu.memory_space<hbm>> -> memref<128x128xf32, #tpu.memory_space<hbm>>
    %dma_start3A_266 = arith.constant 0 : i32
    %dma_start3A_267 = arith.constant 0 : i32
    %dma_start3A_268 = tpu.memref_slice %arg4[%add3A_256, %dma_start3A_266, %dma_start3A_267] : memref<6400x128x128xf32, #tpu.memory_space<hbm>> -> memref<1x128x128xf32, #tpu.memory_space<hbm>>
    %dma_start3A_269 = tpu.memref_squeeze %dma_start3A_268 : memref<1x128x128xf32, #tpu.memory_space<hbm>> -> memref<128x128xf32, #tpu.memory_space<hbm>>
    %dma_start3A_270 = arith.constant 0 : i32
    %dma_start3A_271 = arith.constant 0 : i32
    %dma_start3A_272 = tpu.memref_slice %arg6[%dma_start3A_257, %dma_start3A_270, %dma_start3A_271] : memref<5x128x128xf32, #tpu.memory_space<vmem>> -> memref<1x128x128xf32, #tpu.memory_space<vmem>>
    %dma_start3A_273 = tpu.memref_squeeze %dma_start3A_272 : memref<1x128x128xf32, #tpu.memory_space<vmem>> -> memref<128x128xf32, #tpu.memory_space<vmem>>
    tpu.enqueue_dma source(%dma_start3A_273 : memref<128x128xf32, #tpu.memory_space<vmem>>) target(%dma_start3A_269 : memref<128x128xf32, #tpu.memory_space<hbm>>) target_semaphore(%arg16 : memref<!tpu.dma_semaphore, #tpu.memory_space<semaphore_mem>>)
    %dma_wait3A_274 = arith.constant 2 : i32
    %dma_wait3A_275 = arith.constant 0 : i32
    %dma_wait3A_276 = arith.constant 0 : i32
    %dma_wait3A_277 = tpu.memref_slice %arg6[%dma_wait3A_274, %dma_wait3A_275, %dma_wait3A_276] : memref<5x128x128xf32, #tpu.memory_space<vmem>> -> memref<1x128x128xf32, #tpu.memory_space<vmem>>
    %dma_wait3A_278 = tpu.memref_squeeze %dma_wait3A_277 : memref<1x128x128xf32, #tpu.memory_space<vmem>> -> memref<128x128xf32, #tpu.memory_space<vmem>>
    %dma_wait3A_279 = arith.constant 0 : i32
    %dma_wait3A_280 = arith.constant 0 : i32
    %dma_wait3A_281 = tpu.memref_slice %arg4[%mul3A_2, %dma_wait3A_279, %dma_wait3A_280] : memref<6400x128x128xf32, #tpu.memory_space<hbm>> -> memref<1x128x128xf32, #tpu.memory_space<hbm>>
    %dma_wait3A_282 = tpu.memref_squeeze %dma_wait3A_281 : memref<1x128x128xf32, #tpu.memory_space<hbm>> -> memref<128x128xf32, #tpu.memory_space<hbm>>
    %dma_wait3A_283 = arith.constant 0 : i32
    %dma_wait3A_284 = arith.constant 0 : i32
    %dma_wait3A_285 = tpu.memref_slice %arg4[%mul3A_2, %dma_wait3A_283, %dma_wait3A_284] : memref<6400x128x128xf32, #tpu.memory_space<hbm>> -> memref<1x128x128xf32, #tpu.memory_space<hbm>>
    %dma_wait3A_286 = tpu.memref_squeeze %dma_wait3A_285 : memref<1x128x128xf32, #tpu.memory_space<hbm>> -> memref<128x128xf32, #tpu.memory_space<hbm>>
    %dma_wait3A_287 = arith.constant 0 : i32
    %dma_wait3A_288 = arith.constant 0 : i32
    %dma_wait3A_289 = tpu.memref_slice %arg6[%dma_wait3A_274, %dma_wait3A_287, %dma_wait3A_288] : memref<5x128x128xf32, #tpu.memory_space<vmem>> -> memref<1x128x128xf32, #tpu.memory_space<vmem>>
    %dma_wait3A_290 = tpu.memref_squeeze %dma_wait3A_289 : memref<1x128x128xf32, #tpu.memory_space<vmem>> -> memref<128x128xf32, #tpu.memory_space<vmem>>
    tpu.wait_dma2 semaphore(%arg14 : memref<!tpu.dma_semaphore, #tpu.memory_space<semaphore_mem>>) src(%dma_wait3A_290 : memref<128x128xf32, #tpu.memory_space<vmem>>) dst(%dma_wait3A_286 : memref<128x128xf32, #tpu.memory_space<hbm>>)
    %dma_start3A_291 = arith.constant 7 : i32
    %dma_start3A_292 = arith.constant 2 : i32
    %dma_start3A_293 = arith.constant 0 : i32
    %dma_start3A_294 = arith.constant 0 : i32
    %dma_start3A_295 = tpu.memref_slice %arg6[%dma_start3A_292, %dma_start3A_293, %dma_start3A_294] : memref<5x128x128xf32, #tpu.memory_space<vmem>> -> memref<1x128x128xf32, #tpu.memory_space<vmem>>
    %dma_start3A_296 = tpu.memref_squeeze %dma_start3A_295 : memref<1x128x128xf32, #tpu.memory_space<vmem>> -> memref<128x128xf32, #tpu.memory_space<vmem>>
    %dma_start3A_297 = arith.constant 0 : i32
    %dma_start3A_298 = tpu.memref_slice %arg5[%dma_start3A_291, %dma_start3A_297] : memref<200x128xi32, #tpu.memory_space<vmem>> -> memref<1x128xi32, #tpu.memory_space<vmem>>
    %dma_start3A_299 = tpu.memref_squeeze %dma_start3A_298 : memref<1x128xi32, #tpu.memory_space<vmem>> -> memref<128xi32, #tpu.memory_space<vmem>>
    %dma_start3A_300 = arith.constant 0 : i32
    %dma_start3A_301 = arith.constant 0 : i32
    %dma_start3A_302 = tpu.memref_slice %arg3[%dma_start3A_300, %dma_start3A_301] : memref<100000x128xf32, #tpu.memory_space<hbm>> -> memref<100000x128xf32, #tpu.memory_space<hbm>>
    tpu.enqueue_indirect_dma source(%dma_start3A_302 : memref<100000x128xf32, #tpu.memory_space<hbm>>) target(%dma_start3A_296 : memref<128x128xf32, #tpu.memory_space<vmem>>) offsets(%dma_start3A_299 : memref<128xi32, #tpu.memory_space<vmem>>) semaphore(%arg9 : memref<!tpu.dma_semaphore, #tpu.memory_space<semaphore_mem>>)
    %scan3A = arith.constant 0 : i32
    %scan3A_303 = arith.constant 38 : i32
    %scan3A_304 = arith.addi %scan3A, %scan3A_303 : i32
    %scan3A_305 = arith.constant 1 : i32
    scf.for %scan3A_605 = %scan3A to %scan3A_304 step %scan3A_305  : i32 {
      %mul3A_606 = arith.constant 1 : i32
      %mul3A_607 = arith.muli %scan3A_605, %mul3A_606 : i32
      %add3A_608 = arith.constant 1 : i32
      %add3A_609 = arith.addi %add3A_608, %mul3A_607 : i32
      %mul3A_610 = arith.constant 5 : i32
      %mul3A_611 = arith.muli %mul3A_610, %add3A_609 : i32
      %add3A_612 = arith.constant 0 : i32
      %add3A_613 = arith.addi %mul3A_611, %add3A_612 : i32
      %dma_wait3A_614 = arith.constant 0 : i32
      %dma_wait3A_615 = arith.constant 0 : i32
      %dma_wait3A_616 = arith.constant 0 : i32
      %dma_wait3A_617 = tpu.memref_slice %arg6[%dma_wait3A_614, %dma_wait3A_615, %dma_wait3A_616] : memref<5x128x128xf32, #tpu.memory_space<vmem>> -> memref<1x128x128xf32, #tpu.memory_space<vmem>>
      %dma_wait3A_618 = tpu.memref_squeeze %dma_wait3A_617 : memref<1x128x128xf32, #tpu.memory_space<vmem>> -> memref<128x128xf32, #tpu.memory_space<vmem>>
      %dma_wait3A_619 = arith.constant 0 : i32
      %dma_wait3A_620 = tpu.memref_slice %arg5[%add3A_613, %dma_wait3A_619] : memref<200x128xi32, #tpu.memory_space<vmem>> -> memref<1x128xi32, #tpu.memory_space<vmem>>
      %dma_wait3A_621 = tpu.memref_squeeze %dma_wait3A_620 : memref<1x128xi32, #tpu.memory_space<vmem>> -> memref<128xi32, #tpu.memory_space<vmem>>
      %dma_wait3A_622 = arith.constant 0 : i32
      %dma_wait3A_623 = arith.constant 0 : i32
      %dma_wait3A_624 = tpu.memref_slice %arg3[%dma_wait3A_622, %dma_wait3A_623] : memref<100000x128xf32, #tpu.memory_space<hbm>> -> memref<100000x128xf32, #tpu.memory_space<hbm>>
      tpu.wait_indirect_dma semaphore(%arg7 : memref<!tpu.dma_semaphore, #tpu.memory_space<semaphore_mem>>) src(%dma_wait3A_624 : memref<100000x128xf32, #tpu.memory_space<hbm>>) dst(%dma_wait3A_618 : memref<128x128xf32, #tpu.memory_space<vmem>>)
      %add3A_625 = arith.addi %mul3A_2, %add3A_613 : i32
      %dma_start3A_626 = arith.constant 0 : i32
      %dma_start3A_627 = arith.constant 0 : i32
      %dma_start3A_628 = arith.constant 0 : i32
      %dma_start3A_629 = tpu.memref_slice %arg6[%dma_start3A_626, %dma_start3A_627, %dma_start3A_628] : memref<5x128x128xf32, #tpu.memory_space<vmem>> -> memref<1x128x128xf32, #tpu.memory_space<vmem>>
      %dma_start3A_630 = tpu.memref_squeeze %dma_start3A_629 : memref<1x128x128xf32, #tpu.memory_space<vmem>> -> memref<128x128xf32, #tpu.memory_space<vmem>>
      %dma_start3A_631 = arith.constant 0 : i32
      %dma_start3A_632 = arith.constant 0 : i32
      %dma_start3A_633 = tpu.memref_slice %arg4[%add3A_625, %dma_start3A_631, %dma_start3A_632] : memref<6400x128x128xf32, #tpu.memory_space<hbm>> -> memref<1x128x128xf32, #tpu.memory_space<hbm>>
      %dma_start3A_634 = tpu.memref_squeeze %dma_start3A_633 : memref<1x128x128xf32, #tpu.memory_space<hbm>> -> memref<128x128xf32, #tpu.memory_space<hbm>>
      %dma_start3A_635 = arith.constant 0 : i32
      %dma_start3A_636 = arith.constant 0 : i32
      %dma_start3A_637 = tpu.memref_slice %arg4[%add3A_625, %dma_start3A_635, %dma_start3A_636] : memref<6400x128x128xf32, #tpu.memory_space<hbm>> -> memref<1x128x128xf32, #tpu.memory_space<hbm>>
      %dma_start3A_638 = tpu.memref_squeeze %dma_start3A_637 : memref<1x128x128xf32, #tpu.memory_space<hbm>> -> memref<128x128xf32, #tpu.memory_space<hbm>>
      %dma_start3A_639 = arith.constant 0 : i32
      %dma_start3A_640 = arith.constant 0 : i32
      %dma_start3A_641 = tpu.memref_slice %arg6[%dma_start3A_626, %dma_start3A_639, %dma_start3A_640] : memref<5x128x128xf32, #tpu.memory_space<vmem>> -> memref<1x128x128xf32, #tpu.memory_space<vmem>>
      %dma_start3A_642 = tpu.memref_squeeze %dma_start3A_641 : memref<1x128x128xf32, #tpu.memory_space<vmem>> -> memref<128x128xf32, #tpu.memory_space<vmem>>
      tpu.enqueue_dma source(%dma_start3A_642 : memref<128x128xf32, #tpu.memory_space<vmem>>) target(%dma_start3A_638 : memref<128x128xf32, #tpu.memory_space<hbm>>) target_semaphore(%arg12 : memref<!tpu.dma_semaphore, #tpu.memory_space<semaphore_mem>>)
      %dma_wait3A_643 = arith.constant 3 : i32
      %dma_wait3A_644 = arith.constant 0 : i32
      %dma_wait3A_645 = arith.constant 0 : i32
      %dma_wait3A_646 = tpu.memref_slice %arg6[%dma_wait3A_643, %dma_wait3A_644, %dma_wait3A_645] : memref<5x128x128xf32, #tpu.memory_space<vmem>> -> memref<1x128x128xf32, #tpu.memory_space<vmem>>
      %dma_wait3A_647 = tpu.memref_squeeze %dma_wait3A_646 : memref<1x128x128xf32, #tpu.memory_space<vmem>> -> memref<128x128xf32, #tpu.memory_space<vmem>>
      %dma_wait3A_648 = arith.constant 0 : i32
      %dma_wait3A_649 = arith.constant 0 : i32
      %dma_wait3A_650 = tpu.memref_slice %arg4[%mul3A_2, %dma_wait3A_648, %dma_wait3A_649] : memref<6400x128x128xf32, #tpu.memory_space<hbm>> -> memref<1x128x128xf32, #tpu.memory_space<hbm>>
      %dma_wait3A_651 = tpu.memref_squeeze %dma_wait3A_650 : memref<1x128x128xf32, #tpu.memory_space<hbm>> -> memref<128x128xf32, #tpu.memory_space<hbm>>
      %dma_wait3A_652 = arith.constant 0 : i32
      %dma_wait3A_653 = arith.constant 0 : i32
      %dma_wait3A_654 = tpu.memref_slice %arg4[%mul3A_2, %dma_wait3A_652, %dma_wait3A_653] : memref<6400x128x128xf32, #tpu.memory_space<hbm>> -> memref<1x128x128xf32, #tpu.memory_space<hbm>>
      %dma_wait3A_655 = tpu.memref_squeeze %dma_wait3A_654 : memref<1x128x128xf32, #tpu.memory_space<hbm>> -> memref<128x128xf32, #tpu.memory_space<hbm>>
      %dma_wait3A_656 = arith.constant 0 : i32
      %dma_wait3A_657 = arith.constant 0 : i32
      %dma_wait3A_658 = tpu.memref_slice %arg6[%dma_wait3A_643, %dma_wait3A_656, %dma_wait3A_657] : memref<5x128x128xf32, #tpu.memory_space<vmem>> -> memref<1x128x128xf32, #tpu.memory_space<vmem>>
      %dma_wait3A_659 = tpu.memref_squeeze %dma_wait3A_658 : memref<1x128x128xf32, #tpu.memory_space<vmem>> -> memref<128x128xf32, #tpu.memory_space<vmem>>
      tpu.wait_dma2 semaphore(%arg15 : memref<!tpu.dma_semaphore, #tpu.memory_space<semaphore_mem>>) src(%dma_wait3A_659 : memref<128x128xf32, #tpu.memory_space<vmem>>) dst(%dma_wait3A_655 : memref<128x128xf32, #tpu.memory_space<hbm>>)
      %add3A_660 = arith.constant 3 : i32
      %add3A_661 = arith.addi %add3A_613, %add3A_660 : i32
      %dma_start3A_662 = arith.constant 3 : i32
      %dma_start3A_663 = arith.constant 0 : i32
      %dma_start3A_664 = arith.constant 0 : i32
      %dma_start3A_665 = tpu.memref_slice %arg6[%dma_start3A_662, %dma_start3A_663, %dma_start3A_664] : memref<5x128x128xf32, #tpu.memory_space<vmem>> -> memref<1x128x128xf32, #tpu.memory_space<vmem>>
      %dma_start3A_666 = tpu.memref_squeeze %dma_start3A_665 : memref<1x128x128xf32, #tpu.memory_space<vmem>> -> memref<128x128xf32, #tpu.memory_space<vmem>>
      %dma_start3A_667 = arith.constant 0 : i32
      %dma_start3A_668 = tpu.memref_slice %arg5[%add3A_661, %dma_start3A_667] : memref<200x128xi32, #tpu.memory_space<vmem>> -> memref<1x128xi32, #tpu.memory_space<vmem>>
      %dma_start3A_669 = tpu.memref_squeeze %dma_start3A_668 : memref<1x128xi32, #tpu.memory_space<vmem>> -> memref<128xi32, #tpu.memory_space<vmem>>
      %dma_start3A_670 = arith.constant 0 : i32
      %dma_start3A_671 = arith.constant 0 : i32
      %dma_start3A_672 = tpu.memref_slice %arg3[%dma_start3A_670, %dma_start3A_671] : memref<100000x128xf32, #tpu.memory_space<hbm>> -> memref<100000x128xf32, #tpu.memory_space<hbm>>
      tpu.enqueue_indirect_dma source(%dma_start3A_672 : memref<100000x128xf32, #tpu.memory_space<hbm>>) target(%dma_start3A_666 : memref<128x128xf32, #tpu.memory_space<vmem>>) offsets(%dma_start3A_669 : memref<128xi32, #tpu.memory_space<vmem>>) semaphore(%arg10 : memref<!tpu.dma_semaphore, #tpu.memory_space<semaphore_mem>>)
      %add3A_673 = arith.constant 1 : i32
      %add3A_674 = arith.addi %mul3A_611, %add3A_673 : i32
      %dma_wait3A_675 = arith.constant 1 : i32
      %dma_wait3A_676 = arith.constant 0 : i32
      %dma_wait3A_677 = arith.constant 0 : i32
      %dma_wait3A_678 = tpu.memref_slice %arg6[%dma_wait3A_675, %dma_wait3A_676, %dma_wait3A_677] : memref<5x128x128xf32, #tpu.memory_space<vmem>> -> memref<1x128x128xf32, #tpu.memory_space<vmem>>
      %dma_wait3A_679 = tpu.memref_squeeze %dma_wait3A_678 : memref<1x128x128xf32, #tpu.memory_space<vmem>> -> memref<128x128xf32, #tpu.memory_space<vmem>>
      %dma_wait3A_680 = arith.constant 0 : i32
      %dma_wait3A_681 = tpu.memref_slice %arg5[%add3A_674, %dma_wait3A_680] : memref<200x128xi32, #tpu.memory_space<vmem>> -> memref<1x128xi32, #tpu.memory_space<vmem>>
      %dma_wait3A_682 = tpu.memref_squeeze %dma_wait3A_681 : memref<1x128xi32, #tpu.memory_space<vmem>> -> memref<128xi32, #tpu.memory_space<vmem>>
      %dma_wait3A_683 = arith.constant 0 : i32
      %dma_wait3A_684 = arith.constant 0 : i32
      %dma_wait3A_685 = tpu.memref_slice %arg3[%dma_wait3A_683, %dma_wait3A_684] : memref<100000x128xf32, #tpu.memory_space<hbm>> -> memref<100000x128xf32, #tpu.memory_space<hbm>>
      tpu.wait_indirect_dma semaphore(%arg8 : memref<!tpu.dma_semaphore, #tpu.memory_space<semaphore_mem>>) src(%dma_wait3A_685 : memref<100000x128xf32, #tpu.memory_space<hbm>>) dst(%dma_wait3A_679 : memref<128x128xf32, #tpu.memory_space<vmem>>)
      %add3A_686 = arith.addi %mul3A_2, %add3A_674 : i32
      %dma_start3A_687 = arith.constant 1 : i32
      %dma_start3A_688 = arith.constant 0 : i32
      %dma_start3A_689 = arith.constant 0 : i32
      %dma_start3A_690 = tpu.memref_slice %arg6[%dma_start3A_687, %dma_start3A_688, %dma_start3A_689] : memref<5x128x128xf32, #tpu.memory_space<vmem>> -> memref<1x128x128xf32, #tpu.memory_space<vmem>>
      %dma_start3A_691 = tpu.memref_squeeze %dma_start3A_690 : memref<1x128x128xf32, #tpu.memory_space<vmem>> -> memref<128x128xf32, #tpu.memory_space<vmem>>
      %dma_start3A_692 = arith.constant 0 : i32
      %dma_start3A_693 = arith.constant 0 : i32
      %dma_start3A_694 = tpu.memref_slice %arg4[%add3A_686, %dma_start3A_692, %dma_start3A_693] : memref<6400x128x128xf32, #tpu.memory_space<hbm>> -> memref<1x128x128xf32, #tpu.memory_space<hbm>>
      %dma_start3A_695 = tpu.memref_squeeze %dma_start3A_694 : memref<1x128x128xf32, #tpu.memory_space<hbm>> -> memref<128x128xf32, #tpu.memory_space<hbm>>
      %dma_start3A_696 = arith.constant 0 : i32
      %dma_start3A_697 = arith.constant 0 : i32
      %dma_start3A_698 = tpu.memref_slice %arg4[%add3A_686, %dma_start3A_696, %dma_start3A_697] : memref<6400x128x128xf32, #tpu.memory_space<hbm>> -> memref<1x128x128xf32, #tpu.memory_space<hbm>>
      %dma_start3A_699 = tpu.memref_squeeze %dma_start3A_698 : memref<1x128x128xf32, #tpu.memory_space<hbm>> -> memref<128x128xf32, #tpu.memory_space<hbm>>
      %dma_start3A_700 = arith.constant 0 : i32
      %dma_start3A_701 = arith.constant 0 : i32
      %dma_start3A_702 = tpu.memref_slice %arg6[%dma_start3A_687, %dma_start3A_700, %dma_start3A_701] : memref<5x128x128xf32, #tpu.memory_space<vmem>> -> memref<1x128x128xf32, #tpu.memory_space<vmem>>
      %dma_start3A_703 = tpu.memref_squeeze %dma_start3A_702 : memref<1x128x128xf32, #tpu.memory_space<vmem>> -> memref<128x128xf32, #tpu.memory_space<vmem>>
      tpu.enqueue_dma source(%dma_start3A_703 : memref<128x128xf32, #tpu.memory_space<vmem>>) target(%dma_start3A_699 : memref<128x128xf32, #tpu.memory_space<hbm>>) target_semaphore(%arg13 : memref<!tpu.dma_semaphore, #tpu.memory_space<semaphore_mem>>)
      %dma_wait3A_704 = arith.constant 4 : i32
      %dma_wait3A_705 = arith.constant 0 : i32
      %dma_wait3A_706 = arith.constant 0 : i32
      %dma_wait3A_707 = tpu.memref_slice %arg6[%dma_wait3A_704, %dma_wait3A_705, %dma_wait3A_706] : memref<5x128x128xf32, #tpu.memory_space<vmem>> -> memref<1x128x128xf32, #tpu.memory_space<vmem>>
      %dma_wait3A_708 = tpu.memref_squeeze %dma_wait3A_707 : memref<1x128x128xf32, #tpu.memory_space<vmem>> -> memref<128x128xf32, #tpu.memory_space<vmem>>
      %dma_wait3A_709 = arith.constant 0 : i32
      %dma_wait3A_710 = arith.constant 0 : i32
      %dma_wait3A_711 = tpu.memref_slice %arg4[%mul3A_2, %dma_wait3A_709, %dma_wait3A_710] : memref<6400x128x128xf32, #tpu.memory_space<hbm>> -> memref<1x128x128xf32, #tpu.memory_space<hbm>>
      %dma_wait3A_712 = tpu.memref_squeeze %dma_wait3A_711 : memref<1x128x128xf32, #tpu.memory_space<hbm>> -> memref<128x128xf32, #tpu.memory_space<hbm>>
      %dma_wait3A_713 = arith.constant 0 : i32
      %dma_wait3A_714 = arith.constant 0 : i32
      %dma_wait3A_715 = tpu.memref_slice %arg4[%mul3A_2, %dma_wait3A_713, %dma_wait3A_714] : memref<6400x128x128xf32, #tpu.memory_space<hbm>> -> memref<1x128x128xf32, #tpu.memory_space<hbm>>
      %dma_wait3A_716 = tpu.memref_squeeze %dma_wait3A_715 : memref<1x128x128xf32, #tpu.memory_space<hbm>> -> memref<128x128xf32, #tpu.memory_space<hbm>>
      %dma_wait3A_717 = arith.constant 0 : i32
      %dma_wait3A_718 = arith.constant 0 : i32
      %dma_wait3A_719 = tpu.memref_slice %arg6[%dma_wait3A_704, %dma_wait3A_717, %dma_wait3A_718] : memref<5x128x128xf32, #tpu.memory_space<vmem>> -> memref<1x128x128xf32, #tpu.memory_space<vmem>>
      %dma_wait3A_720 = tpu.memref_squeeze %dma_wait3A_719 : memref<1x128x128xf32, #tpu.memory_space<vmem>> -> memref<128x128xf32, #tpu.memory_space<vmem>>
      tpu.wait_dma2 semaphore(%arg16 : memref<!tpu.dma_semaphore, #tpu.memory_space<semaphore_mem>>) src(%dma_wait3A_720 : memref<128x128xf32, #tpu.memory_space<vmem>>) dst(%dma_wait3A_716 : memref<128x128xf32, #tpu.memory_space<hbm>>)
      %add3A_721 = arith.constant 3 : i32
      %add3A_722 = arith.addi %add3A_674, %add3A_721 : i32
      %dma_start3A_723 = arith.constant 4 : i32
      %dma_start3A_724 = arith.constant 0 : i32
      %dma_start3A_725 = arith.constant 0 : i32
      %dma_start3A_726 = tpu.memref_slice %arg6[%dma_start3A_723, %dma_start3A_724, %dma_start3A_725] : memref<5x128x128xf32, #tpu.memory_space<vmem>> -> memref<1x128x128xf32, #tpu.memory_space<vmem>>
      %dma_start3A_727 = tpu.memref_squeeze %dma_start3A_726 : memref<1x128x128xf32, #tpu.memory_space<vmem>> -> memref<128x128xf32, #tpu.memory_space<vmem>>
      %dma_start3A_728 = arith.constant 0 : i32
      %dma_start3A_729 = tpu.memref_slice %arg5[%add3A_722, %dma_start3A_728] : memref<200x128xi32, #tpu.memory_space<vmem>> -> memref<1x128xi32, #tpu.memory_space<vmem>>
      %dma_start3A_730 = tpu.memref_squeeze %dma_start3A_729 : memref<1x128xi32, #tpu.memory_space<vmem>> -> memref<128xi32, #tpu.memory_space<vmem>>
      %dma_start3A_731 = arith.constant 0 : i32
      %dma_start3A_732 = arith.constant 0 : i32
      %dma_start3A_733 = tpu.memref_slice %arg3[%dma_start3A_731, %dma_start3A_732] : memref<100000x128xf32, #tpu.memory_space<hbm>> -> memref<100000x128xf32, #tpu.memory_space<hbm>>
      tpu.enqueue_indirect_dma source(%dma_start3A_733 : memref<100000x128xf32, #tpu.memory_space<hbm>>) target(%dma_start3A_727 : memref<128x128xf32, #tpu.memory_space<vmem>>) offsets(%dma_start3A_730 : memref<128xi32, #tpu.memory_space<vmem>>) semaphore(%arg11 : memref<!tpu.dma_semaphore, #tpu.memory_space<semaphore_mem>>)
      %add3A_734 = arith.constant 2 : i32
      %add3A_735 = arith.addi %mul3A_611, %add3A_734 : i32
      %dma_wait3A_736 = arith.constant 2 : i32
      %dma_wait3A_737 = arith.constant 0 : i32
      %dma_wait3A_738 = arith.constant 0 : i32
      %dma_wait3A_739 = tpu.memref_slice %arg6[%dma_wait3A_736, %dma_wait3A_737, %dma_wait3A_738] : memref<5x128x128xf32, #tpu.memory_space<vmem>> -> memref<1x128x128xf32, #tpu.memory_space<vmem>>
      %dma_wait3A_740 = tpu.memref_squeeze %dma_wait3A_739 : memref<1x128x128xf32, #tpu.memory_space<vmem>> -> memref<128x128xf32, #tpu.memory_space<vmem>>
      %dma_wait3A_741 = arith.constant 0 : i32
      %dma_wait3A_742 = tpu.memref_slice %arg5[%add3A_735, %dma_wait3A_741] : memref<200x128xi32, #tpu.memory_space<vmem>> -> memref<1x128xi32, #tpu.memory_space<vmem>>
      %dma_wait3A_743 = tpu.memref_squeeze %dma_wait3A_742 : memref<1x128xi32, #tpu.memory_space<vmem>> -> memref<128xi32, #tpu.memory_space<vmem>>
      %dma_wait3A_744 = arith.constant 0 : i32
      %dma_wait3A_745 = arith.constant 0 : i32
      %dma_wait3A_746 = tpu.memref_slice %arg3[%dma_wait3A_744, %dma_wait3A_745] : memref<100000x128xf32, #tpu.memory_space<hbm>> -> memref<100000x128xf32, #tpu.memory_space<hbm>>
      tpu.wait_indirect_dma semaphore(%arg9 : memref<!tpu.dma_semaphore, #tpu.memory_space<semaphore_mem>>) src(%dma_wait3A_746 : memref<100000x128xf32, #tpu.memory_space<hbm>>) dst(%dma_wait3A_740 : memref<128x128xf32, #tpu.memory_space<vmem>>)
      %add3A_747 = arith.addi %mul3A_2, %add3A_735 : i32
      %dma_start3A_748 = arith.constant 2 : i32
      %dma_start3A_749 = arith.constant 0 : i32
      %dma_start3A_750 = arith.constant 0 : i32
      %dma_start3A_751 = tpu.memref_slice %arg6[%dma_start3A_748, %dma_start3A_749, %dma_start3A_750] : memref<5x128x128xf32, #tpu.memory_space<vmem>> -> memref<1x128x128xf32, #tpu.memory_space<vmem>>
      %dma_start3A_752 = tpu.memref_squeeze %dma_start3A_751 : memref<1x128x128xf32, #tpu.memory_space<vmem>> -> memref<128x128xf32, #tpu.memory_space<vmem>>
      %dma_start3A_753 = arith.constant 0 : i32
      %dma_start3A_754 = arith.constant 0 : i32
      %dma_start3A_755 = tpu.memref_slice %arg4[%add3A_747, %dma_start3A_753, %dma_start3A_754] : memref<6400x128x128xf32, #tpu.memory_space<hbm>> -> memref<1x128x128xf32, #tpu.memory_space<hbm>>
      %dma_start3A_756 = tpu.memref_squeeze %dma_start3A_755 : memref<1x128x128xf32, #tpu.memory_space<hbm>> -> memref<128x128xf32, #tpu.memory_space<hbm>>
      %dma_start3A_757 = arith.constant 0 : i32
      %dma_start3A_758 = arith.constant 0 : i32
      %dma_start3A_759 = tpu.memref_slice %arg4[%add3A_747, %dma_start3A_757, %dma_start3A_758] : memref<6400x128x128xf32, #tpu.memory_space<hbm>> -> memref<1x128x128xf32, #tpu.memory_space<hbm>>
      %dma_start3A_760 = tpu.memref_squeeze %dma_start3A_759 : memref<1x128x128xf32, #tpu.memory_space<hbm>> -> memref<128x128xf32, #tpu.memory_space<hbm>>
      %dma_start3A_761 = arith.constant 0 : i32
      %dma_start3A_762 = arith.constant 0 : i32
      %dma_start3A_763 = tpu.memref_slice %arg6[%dma_start3A_748, %dma_start3A_761, %dma_start3A_762] : memref<5x128x128xf32, #tpu.memory_space<vmem>> -> memref<1x128x128xf32, #tpu.memory_space<vmem>>
      %dma_start3A_764 = tpu.memref_squeeze %dma_start3A_763 : memref<1x128x128xf32, #tpu.memory_space<vmem>> -> memref<128x128xf32, #tpu.memory_space<vmem>>
      tpu.enqueue_dma source(%dma_start3A_764 : memref<128x128xf32, #tpu.memory_space<vmem>>) target(%dma_start3A_760 : memref<128x128xf32, #tpu.memory_space<hbm>>) target_semaphore(%arg14 : memref<!tpu.dma_semaphore, #tpu.memory_space<semaphore_mem>>)
      %dma_wait3A_765 = arith.constant 0 : i32
      %dma_wait3A_766 = arith.constant 0 : i32
      %dma_wait3A_767 = arith.constant 0 : i32
      %dma_wait3A_768 = tpu.memref_slice %arg6[%dma_wait3A_765, %dma_wait3A_766, %dma_wait3A_767] : memref<5x128x128xf32, #tpu.memory_space<vmem>> -> memref<1x128x128xf32, #tpu.memory_space<vmem>>
      %dma_wait3A_769 = tpu.memref_squeeze %dma_wait3A_768 : memref<1x128x128xf32, #tpu.memory_space<vmem>> -> memref<128x128xf32, #tpu.memory_space<vmem>>
      %dma_wait3A_770 = arith.constant 0 : i32
      %dma_wait3A_771 = arith.constant 0 : i32
      %dma_wait3A_772 = tpu.memref_slice %arg4[%mul3A_2, %dma_wait3A_770, %dma_wait3A_771] : memref<6400x128x128xf32, #tpu.memory_space<hbm>> -> memref<1x128x128xf32, #tpu.memory_space<hbm>>
      %dma_wait3A_773 = tpu.memref_squeeze %dma_wait3A_772 : memref<1x128x128xf32, #tpu.memory_space<hbm>> -> memref<128x128xf32, #tpu.memory_space<hbm>>
      %dma_wait3A_774 = arith.constant 0 : i32
      %dma_wait3A_775 = arith.constant 0 : i32
      %dma_wait3A_776 = tpu.memref_slice %arg4[%mul3A_2, %dma_wait3A_774, %dma_wait3A_775] : memref<6400x128x128xf32, #tpu.memory_space<hbm>> -> memref<1x128x128xf32, #tpu.memory_space<hbm>>
      %dma_wait3A_777 = tpu.memref_squeeze %dma_wait3A_776 : memref<1x128x128xf32, #tpu.memory_space<hbm>> -> memref<128x128xf32, #tpu.memory_space<hbm>>
      %dma_wait3A_778 = arith.constant 0 : i32
      %dma_wait3A_779 = arith.constant 0 : i32
      %dma_wait3A_780 = tpu.memref_slice %arg6[%dma_wait3A_765, %dma_wait3A_778, %dma_wait3A_779] : memref<5x128x128xf32, #tpu.memory_space<vmem>> -> memref<1x128x128xf32, #tpu.memory_space<vmem>>
      %dma_wait3A_781 = tpu.memref_squeeze %dma_wait3A_780 : memref<1x128x128xf32, #tpu.memory_space<vmem>> -> memref<128x128xf32, #tpu.memory_space<vmem>>
      tpu.wait_dma2 semaphore(%arg12 : memref<!tpu.dma_semaphore, #tpu.memory_space<semaphore_mem>>) src(%dma_wait3A_781 : memref<128x128xf32, #tpu.memory_space<vmem>>) dst(%dma_wait3A_777 : memref<128x128xf32, #tpu.memory_space<hbm>>)
      %add3A_782 = arith.constant 3 : i32
      %add3A_783 = arith.addi %add3A_735, %add3A_782 : i32
      %dma_start3A_784 = arith.constant 0 : i32
      %dma_start3A_785 = arith.constant 0 : i32
      %dma_start3A_786 = arith.constant 0 : i32
      %dma_start3A_787 = tpu.memref_slice %arg6[%dma_start3A_784, %dma_start3A_785, %dma_start3A_786] : memref<5x128x128xf32, #tpu.memory_space<vmem>> -> memref<1x128x128xf32, #tpu.memory_space<vmem>>
      %dma_start3A_788 = tpu.memref_squeeze %dma_start3A_787 : memref<1x128x128xf32, #tpu.memory_space<vmem>> -> memref<128x128xf32, #tpu.memory_space<vmem>>
      %dma_start3A_789 = arith.constant 0 : i32
      %dma_start3A_790 = tpu.memref_slice %arg5[%add3A_783, %dma_start3A_789] : memref<200x128xi32, #tpu.memory_space<vmem>> -> memref<1x128xi32, #tpu.memory_space<vmem>>
      %dma_start3A_791 = tpu.memref_squeeze %dma_start3A_790 : memref<1x128xi32, #tpu.memory_space<vmem>> -> memref<128xi32, #tpu.memory_space<vmem>>
      %dma_start3A_792 = arith.constant 0 : i32
      %dma_start3A_793 = arith.constant 0 : i32
      %dma_start3A_794 = tpu.memref_slice %arg3[%dma_start3A_792, %dma_start3A_793] : memref<100000x128xf32, #tpu.memory_space<hbm>> -> memref<100000x128xf32, #tpu.memory_space<hbm>>
      tpu.enqueue_indirect_dma source(%dma_start3A_794 : memref<100000x128xf32, #tpu.memory_space<hbm>>) target(%dma_start3A_788 : memref<128x128xf32, #tpu.memory_space<vmem>>) offsets(%dma_start3A_791 : memref<128xi32, #tpu.memory_space<vmem>>) semaphore(%arg7 : memref<!tpu.dma_semaphore, #tpu.memory_space<semaphore_mem>>)
      %add3A_795 = arith.constant 3 : i32
      %add3A_796 = arith.addi %mul3A_611, %add3A_795 : i32
      %dma_wait3A_797 = arith.constant 3 : i32
      %dma_wait3A_798 = arith.constant 0 : i32
      %dma_wait3A_799 = arith.constant 0 : i32
      %dma_wait3A_800 = tpu.memref_slice %arg6[%dma_wait3A_797, %dma_wait3A_798, %dma_wait3A_799] : memref<5x128x128xf32, #tpu.memory_space<vmem>> -> memref<1x128x128xf32, #tpu.memory_space<vmem>>
      %dma_wait3A_801 = tpu.memref_squeeze %dma_wait3A_800 : memref<1x128x128xf32, #tpu.memory_space<vmem>> -> memref<128x128xf32, #tpu.memory_space<vmem>>
      %dma_wait3A_802 = arith.constant 0 : i32
      %dma_wait3A_803 = tpu.memref_slice %arg5[%add3A_796, %dma_wait3A_802] : memref<200x128xi32, #tpu.memory_space<vmem>> -> memref<1x128xi32, #tpu.memory_space<vmem>>
      %dma_wait3A_804 = tpu.memref_squeeze %dma_wait3A_803 : memref<1x128xi32, #tpu.memory_space<vmem>> -> memref<128xi32, #tpu.memory_space<vmem>>
      %dma_wait3A_805 = arith.constant 0 : i32
      %dma_wait3A_806 = arith.constant 0 : i32
      %dma_wait3A_807 = tpu.memref_slice %arg3[%dma_wait3A_805, %dma_wait3A_806] : memref<100000x128xf32, #tpu.memory_space<hbm>> -> memref<100000x128xf32, #tpu.memory_space<hbm>>
      tpu.wait_indirect_dma semaphore(%arg10 : memref<!tpu.dma_semaphore, #tpu.memory_space<semaphore_mem>>) src(%dma_wait3A_807 : memref<100000x128xf32, #tpu.memory_space<hbm>>) dst(%dma_wait3A_801 : memref<128x128xf32, #tpu.memory_space<vmem>>)
      %add3A_808 = arith.addi %mul3A_2, %add3A_796 : i32
      %dma_start3A_809 = arith.constant 3 : i32
      %dma_start3A_810 = arith.constant 0 : i32
      %dma_start3A_811 = arith.constant 0 : i32
      %dma_start3A_812 = tpu.memref_slice %arg6[%dma_start3A_809, %dma_start3A_810, %dma_start3A_811] : memref<5x128x128xf32, #tpu.memory_space<vmem>> -> memref<1x128x128xf32, #tpu.memory_space<vmem>>
      %dma_start3A_813 = tpu.memref_squeeze %dma_start3A_812 : memref<1x128x128xf32, #tpu.memory_space<vmem>> -> memref<128x128xf32, #tpu.memory_space<vmem>>
      %dma_start3A_814 = arith.constant 0 : i32
      %dma_start3A_815 = arith.constant 0 : i32
      %dma_start3A_816 = tpu.memref_slice %arg4[%add3A_808, %dma_start3A_814, %dma_start3A_815] : memref<6400x128x128xf32, #tpu.memory_space<hbm>> -> memref<1x128x128xf32, #tpu.memory_space<hbm>>
      %dma_start3A_817 = tpu.memref_squeeze %dma_start3A_816 : memref<1x128x128xf32, #tpu.memory_space<hbm>> -> memref<128x128xf32, #tpu.memory_space<hbm>>
      %dma_start3A_818 = arith.constant 0 : i32
      %dma_start3A_819 = arith.constant 0 : i32
      %dma_start3A_820 = tpu.memref_slice %arg4[%add3A_808, %dma_start3A_818, %dma_start3A_819] : memref<6400x128x128xf32, #tpu.memory_space<hbm>> -> memref<1x128x128xf32, #tpu.memory_space<hbm>>
      %dma_start3A_821 = tpu.memref_squeeze %dma_start3A_820 : memref<1x128x128xf32, #tpu.memory_space<hbm>> -> memref<128x128xf32, #tpu.memory_space<hbm>>
      %dma_start3A_822 = arith.constant 0 : i32
      %dma_start3A_823 = arith.constant 0 : i32
      %dma_start3A_824 = tpu.memref_slice %arg6[%dma_start3A_809, %dma_start3A_822, %dma_start3A_823] : memref<5x128x128xf32, #tpu.memory_space<vmem>> -> memref<1x128x128xf32, #tpu.memory_space<vmem>>
      %dma_start3A_825 = tpu.memref_squeeze %dma_start3A_824 : memref<1x128x128xf32, #tpu.memory_space<vmem>> -> memref<128x128xf32, #tpu.memory_space<vmem>>
      tpu.enqueue_dma source(%dma_start3A_825 : memref<128x128xf32, #tpu.memory_space<vmem>>) target(%dma_start3A_821 : memref<128x128xf32, #tpu.memory_space<hbm>>) target_semaphore(%arg15 : memref<!tpu.dma_semaphore, #tpu.memory_space<semaphore_mem>>)
      %dma_wait3A_826 = arith.constant 1 : i32
      %dma_wait3A_827 = arith.constant 0 : i32
      %dma_wait3A_828 = arith.constant 0 : i32
      %dma_wait3A_829 = tpu.memref_slice %arg6[%dma_wait3A_826, %dma_wait3A_827, %dma_wait3A_828] : memref<5x128x128xf32, #tpu.memory_space<vmem>> -> memref<1x128x128xf32, #tpu.memory_space<vmem>>
      %dma_wait3A_830 = tpu.memref_squeeze %dma_wait3A_829 : memref<1x128x128xf32, #tpu.memory_space<vmem>> -> memref<128x128xf32, #tpu.memory_space<vmem>>
      %dma_wait3A_831 = arith.constant 0 : i32
      %dma_wait3A_832 = arith.constant 0 : i32
      %dma_wait3A_833 = tpu.memref_slice %arg4[%mul3A_2, %dma_wait3A_831, %dma_wait3A_832] : memref<6400x128x128xf32, #tpu.memory_space<hbm>> -> memref<1x128x128xf32, #tpu.memory_space<hbm>>
      %dma_wait3A_834 = tpu.memref_squeeze %dma_wait3A_833 : memref<1x128x128xf32, #tpu.memory_space<hbm>> -> memref<128x128xf32, #tpu.memory_space<hbm>>
      %dma_wait3A_835 = arith.constant 0 : i32
      %dma_wait3A_836 = arith.constant 0 : i32
      %dma_wait3A_837 = tpu.memref_slice %arg4[%mul3A_2, %dma_wait3A_835, %dma_wait3A_836] : memref<6400x128x128xf32, #tpu.memory_space<hbm>> -> memref<1x128x128xf32, #tpu.memory_space<hbm>>
      %dma_wait3A_838 = tpu.memref_squeeze %dma_wait3A_837 : memref<1x128x128xf32, #tpu.memory_space<hbm>> -> memref<128x128xf32, #tpu.memory_space<hbm>>
      %dma_wait3A_839 = arith.constant 0 : i32
      %dma_wait3A_840 = arith.constant 0 : i32
      %dma_wait3A_841 = tpu.memref_slice %arg6[%dma_wait3A_826, %dma_wait3A_839, %dma_wait3A_840] : memref<5x128x128xf32, #tpu.memory_space<vmem>> -> memref<1x128x128xf32, #tpu.memory_space<vmem>>
      %dma_wait3A_842 = tpu.memref_squeeze %dma_wait3A_841 : memref<1x128x128xf32, #tpu.memory_space<vmem>> -> memref<128x128xf32, #tpu.memory_space<vmem>>
      tpu.wait_dma2 semaphore(%arg13 : memref<!tpu.dma_semaphore, #tpu.memory_space<semaphore_mem>>) src(%dma_wait3A_842 : memref<128x128xf32, #tpu.memory_space<vmem>>) dst(%dma_wait3A_838 : memref<128x128xf32, #tpu.memory_space<hbm>>)
      %add3A_843 = arith.constant 3 : i32
      %add3A_844 = arith.addi %add3A_796, %add3A_843 : i32
      %dma_start3A_845 = arith.constant 1 : i32
      %dma_start3A_846 = arith.constant 0 : i32
      %dma_start3A_847 = arith.constant 0 : i32
      %dma_start3A_848 = tpu.memref_slice %arg6[%dma_start3A_845, %dma_start3A_846, %dma_start3A_847] : memref<5x128x128xf32, #tpu.memory_space<vmem>> -> memref<1x128x128xf32, #tpu.memory_space<vmem>>
      %dma_start3A_849 = tpu.memref_squeeze %dma_start3A_848 : memref<1x128x128xf32, #tpu.memory_space<vmem>> -> memref<128x128xf32, #tpu.memory_space<vmem>>
      %dma_start3A_850 = arith.constant 0 : i32
      %dma_start3A_851 = tpu.memref_slice %arg5[%add3A_844, %dma_start3A_850] : memref<200x128xi32, #tpu.memory_space<vmem>> -> memref<1x128xi32, #tpu.memory_space<vmem>>
      %dma_start3A_852 = tpu.memref_squeeze %dma_start3A_851 : memref<1x128xi32, #tpu.memory_space<vmem>> -> memref<128xi32, #tpu.memory_space<vmem>>
      %dma_start3A_853 = arith.constant 0 : i32
      %dma_start3A_854 = arith.constant 0 : i32
      %dma_start3A_855 = tpu.memref_slice %arg3[%dma_start3A_853, %dma_start3A_854] : memref<100000x128xf32, #tpu.memory_space<hbm>> -> memref<100000x128xf32, #tpu.memory_space<hbm>>
      tpu.enqueue_indirect_dma source(%dma_start3A_855 : memref<100000x128xf32, #tpu.memory_space<hbm>>) target(%dma_start3A_849 : memref<128x128xf32, #tpu.memory_space<vmem>>) offsets(%dma_start3A_852 : memref<128xi32, #tpu.memory_space<vmem>>) semaphore(%arg8 : memref<!tpu.dma_semaphore, #tpu.memory_space<semaphore_mem>>)
      %add3A_856 = arith.constant 4 : i32
      %add3A_857 = arith.addi %mul3A_611, %add3A_856 : i32
      %dma_wait3A_858 = arith.constant 4 : i32
      %dma_wait3A_859 = arith.constant 0 : i32
      %dma_wait3A_860 = arith.constant 0 : i32
      %dma_wait3A_861 = tpu.memref_slice %arg6[%dma_wait3A_858, %dma_wait3A_859, %dma_wait3A_860] : memref<5x128x128xf32, #tpu.memory_space<vmem>> -> memref<1x128x128xf32, #tpu.memory_space<vmem>>
      %dma_wait3A_862 = tpu.memref_squeeze %dma_wait3A_861 : memref<1x128x128xf32, #tpu.memory_space<vmem>> -> memref<128x128xf32, #tpu.memory_space<vmem>>
      %dma_wait3A_863 = arith.constant 0 : i32
      %dma_wait3A_864 = tpu.memref_slice %arg5[%add3A_857, %dma_wait3A_863] : memref<200x128xi32, #tpu.memory_space<vmem>> -> memref<1x128xi32, #tpu.memory_space<vmem>>
      %dma_wait3A_865 = tpu.memref_squeeze %dma_wait3A_864 : memref<1x128xi32, #tpu.memory_space<vmem>> -> memref<128xi32, #tpu.memory_space<vmem>>
      %dma_wait3A_866 = arith.constant 0 : i32
      %dma_wait3A_867 = arith.constant 0 : i32
      %dma_wait3A_868 = tpu.memref_slice %arg3[%dma_wait3A_866, %dma_wait3A_867] : memref<100000x128xf32, #tpu.memory_space<hbm>> -> memref<100000x128xf32, #tpu.memory_space<hbm>>
      tpu.wait_indirect_dma semaphore(%arg11 : memref<!tpu.dma_semaphore, #tpu.memory_space<semaphore_mem>>) src(%dma_wait3A_868 : memref<100000x128xf32, #tpu.memory_space<hbm>>) dst(%dma_wait3A_862 : memref<128x128xf32, #tpu.memory_space<vmem>>)
      %add3A_869 = arith.addi %mul3A_2, %add3A_857 : i32
      %dma_start3A_870 = arith.constant 4 : i32
      %dma_start3A_871 = arith.constant 0 : i32
      %dma_start3A_872 = arith.constant 0 : i32
      %dma_start3A_873 = tpu.memref_slice %arg6[%dma_start3A_870, %dma_start3A_871, %dma_start3A_872] : memref<5x128x128xf32, #tpu.memory_space<vmem>> -> memref<1x128x128xf32, #tpu.memory_space<vmem>>
      %dma_start3A_874 = tpu.memref_squeeze %dma_start3A_873 : memref<1x128x128xf32, #tpu.memory_space<vmem>> -> memref<128x128xf32, #tpu.memory_space<vmem>>
      %dma_start3A_875 = arith.constant 0 : i32
      %dma_start3A_876 = arith.constant 0 : i32
      %dma_start3A_877 = tpu.memref_slice %arg4[%add3A_869, %dma_start3A_875, %dma_start3A_876] : memref<6400x128x128xf32, #tpu.memory_space<hbm>> -> memref<1x128x128xf32, #tpu.memory_space<hbm>>
      %dma_start3A_878 = tpu.memref_squeeze %dma_start3A_877 : memref<1x128x128xf32, #tpu.memory_space<hbm>> -> memref<128x128xf32, #tpu.memory_space<hbm>>
      %dma_start3A_879 = arith.constant 0 : i32
      %dma_start3A_880 = arith.constant 0 : i32
      %dma_start3A_881 = tpu.memref_slice %arg4[%add3A_869, %dma_start3A_879, %dma_start3A_880] : memref<6400x128x128xf32, #tpu.memory_space<hbm>> -> memref<1x128x128xf32, #tpu.memory_space<hbm>>
      %dma_start3A_882 = tpu.memref_squeeze %dma_start3A_881 : memref<1x128x128xf32, #tpu.memory_space<hbm>> -> memref<128x128xf32, #tpu.memory_space<hbm>>
      %dma_start3A_883 = arith.constant 0 : i32
      %dma_start3A_884 = arith.constant 0 : i32
      %dma_start3A_885 = tpu.memref_slice %arg6[%dma_start3A_870, %dma_start3A_883, %dma_start3A_884] : memref<5x128x128xf32, #tpu.memory_space<vmem>> -> memref<1x128x128xf32, #tpu.memory_space<vmem>>
      %dma_start3A_886 = tpu.memref_squeeze %dma_start3A_885 : memref<1x128x128xf32, #tpu.memory_space<vmem>> -> memref<128x128xf32, #tpu.memory_space<vmem>>
      tpu.enqueue_dma source(%dma_start3A_886 : memref<128x128xf32, #tpu.memory_space<vmem>>) target(%dma_start3A_882 : memref<128x128xf32, #tpu.memory_space<hbm>>) target_semaphore(%arg16 : memref<!tpu.dma_semaphore, #tpu.memory_space<semaphore_mem>>)
      %dma_wait3A_887 = arith.constant 2 : i32
      %dma_wait3A_888 = arith.constant 0 : i32
      %dma_wait3A_889 = arith.constant 0 : i32
      %dma_wait3A_890 = tpu.memref_slice %arg6[%dma_wait3A_887, %dma_wait3A_888, %dma_wait3A_889] : memref<5x128x128xf32, #tpu.memory_space<vmem>> -> memref<1x128x128xf32, #tpu.memory_space<vmem>>
      %dma_wait3A_891 = tpu.memref_squeeze %dma_wait3A_890 : memref<1x128x128xf32, #tpu.memory_space<vmem>> -> memref<128x128xf32, #tpu.memory_space<vmem>>
      %dma_wait3A_892 = arith.constant 0 : i32
      %dma_wait3A_893 = arith.constant 0 : i32
      %dma_wait3A_894 = tpu.memref_slice %arg4[%mul3A_2, %dma_wait3A_892, %dma_wait3A_893] : memref<6400x128x128xf32, #tpu.memory_space<hbm>> -> memref<1x128x128xf32, #tpu.memory_space<hbm>>
      %dma_wait3A_895 = tpu.memref_squeeze %dma_wait3A_894 : memref<1x128x128xf32, #tpu.memory_space<hbm>> -> memref<128x128xf32, #tpu.memory_space<hbm>>
      %dma_wait3A_896 = arith.constant 0 : i32
      %dma_wait3A_897 = arith.constant 0 : i32
      %dma_wait3A_898 = tpu.memref_slice %arg4[%mul3A_2, %dma_wait3A_896, %dma_wait3A_897] : memref<6400x128x128xf32, #tpu.memory_space<hbm>> -> memref<1x128x128xf32, #tpu.memory_space<hbm>>
      %dma_wait3A_899 = tpu.memref_squeeze %dma_wait3A_898 : memref<1x128x128xf32, #tpu.memory_space<hbm>> -> memref<128x128xf32, #tpu.memory_space<hbm>>
      %dma_wait3A_900 = arith.constant 0 : i32
      %dma_wait3A_901 = arith.constant 0 : i32
      %dma_wait3A_902 = tpu.memref_slice %arg6[%dma_wait3A_887, %dma_wait3A_900, %dma_wait3A_901] : memref<5x128x128xf32, #tpu.memory_space<vmem>> -> memref<1x128x128xf32, #tpu.memory_space<vmem>>
      %dma_wait3A_903 = tpu.memref_squeeze %dma_wait3A_902 : memref<1x128x128xf32, #tpu.memory_space<vmem>> -> memref<128x128xf32, #tpu.memory_space<vmem>>
      tpu.wait_dma2 semaphore(%arg14 : memref<!tpu.dma_semaphore, #tpu.memory_space<semaphore_mem>>) src(%dma_wait3A_903 : memref<128x128xf32, #tpu.memory_space<vmem>>) dst(%dma_wait3A_899 : memref<128x128xf32, #tpu.memory_space<hbm>>)
      %add3A_904 = arith.constant 3 : i32
      %add3A_905 = arith.addi %add3A_857, %add3A_904 : i32
      %dma_start3A_906 = arith.constant 2 : i32
      %dma_start3A_907 = arith.constant 0 : i32
      %dma_start3A_908 = arith.constant 0 : i32
      %dma_start3A_909 = tpu.memref_slice %arg6[%dma_start3A_906, %dma_start3A_907, %dma_start3A_908] : memref<5x128x128xf32, #tpu.memory_space<vmem>> -> memref<1x128x128xf32, #tpu.memory_space<vmem>>
      %dma_start3A_910 = tpu.memref_squeeze %dma_start3A_909 : memref<1x128x128xf32, #tpu.memory_space<vmem>> -> memref<128x128xf32, #tpu.memory_space<vmem>>
      %dma_start3A_911 = arith.constant 0 : i32
      %dma_start3A_912 = tpu.memref_slice %arg5[%add3A_905, %dma_start3A_911] : memref<200x128xi32, #tpu.memory_space<vmem>> -> memref<1x128xi32, #tpu.memory_space<vmem>>
      %dma_start3A_913 = tpu.memref_squeeze %dma_start3A_912 : memref<1x128xi32, #tpu.memory_space<vmem>> -> memref<128xi32, #tpu.memory_space<vmem>>
      %dma_start3A_914 = arith.constant 0 : i32
      %dma_start3A_915 = arith.constant 0 : i32
      %dma_start3A_916 = tpu.memref_slice %arg3[%dma_start3A_914, %dma_start3A_915] : memref<100000x128xf32, #tpu.memory_space<hbm>> -> memref<100000x128xf32, #tpu.memory_space<hbm>>
      tpu.enqueue_indirect_dma source(%dma_start3A_916 : memref<100000x128xf32, #tpu.memory_space<hbm>>) target(%dma_start3A_910 : memref<128x128xf32, #tpu.memory_space<vmem>>) offsets(%dma_start3A_913 : memref<128xi32, #tpu.memory_space<vmem>>) semaphore(%arg9 : memref<!tpu.dma_semaphore, #tpu.memory_space<semaphore_mem>>)
    }
    %scan3A_306 = arith.constant 38 : i32
    %dma_wait3A_307 = arith.constant 195 : i32
    %dma_wait3A_308 = arith.constant 0 : i32
    %dma_wait3A_309 = arith.constant 0 : i32
    %dma_wait3A_310 = arith.constant 0 : i32
    %dma_wait3A_311 = tpu.memref_slice %arg6[%dma_wait3A_308, %dma_wait3A_309, %dma_wait3A_310] : memref<5x128x128xf32, #tpu.memory_space<vmem>> -> memref<1x128x128xf32, #tpu.memory_space<vmem>>
    %dma_wait3A_312 = tpu.memref_squeeze %dma_wait3A_311 : memref<1x128x128xf32, #tpu.memory_space<vmem>> -> memref<128x128xf32, #tpu.memory_space<vmem>>
    %dma_wait3A_313 = arith.constant 0 : i32
    %dma_wait3A_314 = tpu.memref_slice %arg5[%dma_wait3A_307, %dma_wait3A_313] : memref<200x128xi32, #tpu.memory_space<vmem>> -> memref<1x128xi32, #tpu.memory_space<vmem>>
    %dma_wait3A_315 = tpu.memref_squeeze %dma_wait3A_314 : memref<1x128xi32, #tpu.memory_space<vmem>> -> memref<128xi32, #tpu.memory_space<vmem>>
    %dma_wait3A_316 = arith.constant 0 : i32
    %dma_wait3A_317 = arith.constant 0 : i32
    %dma_wait3A_318 = tpu.memref_slice %arg3[%dma_wait3A_316, %dma_wait3A_317] : memref<100000x128xf32, #tpu.memory_space<hbm>> -> memref<100000x128xf32, #tpu.memory_space<hbm>>
    tpu.wait_indirect_dma semaphore(%arg7 : memref<!tpu.dma_semaphore, #tpu.memory_space<semaphore_mem>>) src(%dma_wait3A_318 : memref<100000x128xf32, #tpu.memory_space<hbm>>) dst(%dma_wait3A_312 : memref<128x128xf32, #tpu.memory_space<vmem>>)
    %add3A_319 = arith.constant 195 : i32
    %add3A_320 = arith.addi %mul3A_2, %add3A_319 : i32
    %dma_start3A_321 = arith.constant 0 : i32
    %dma_start3A_322 = arith.constant 0 : i32
    %dma_start3A_323 = arith.constant 0 : i32
    %dma_start3A_324 = tpu.memref_slice %arg6[%dma_start3A_321, %dma_start3A_322, %dma_start3A_323] : memref<5x128x128xf32, #tpu.memory_space<vmem>> -> memref<1x128x128xf32, #tpu.memory_space<vmem>>
    %dma_start3A_325 = tpu.memref_squeeze %dma_start3A_324 : memref<1x128x128xf32, #tpu.memory_space<vmem>> -> memref<128x128xf32, #tpu.memory_space<vmem>>
    %dma_start3A_326 = arith.constant 0 : i32
    %dma_start3A_327 = arith.constant 0 : i32
    %dma_start3A_328 = tpu.memref_slice %arg4[%add3A_320, %dma_start3A_326, %dma_start3A_327] : memref<6400x128x128xf32, #tpu.memory_space<hbm>> -> memref<1x128x128xf32, #tpu.memory_space<hbm>>
    %dma_start3A_329 = tpu.memref_squeeze %dma_start3A_328 : memref<1x128x128xf32, #tpu.memory_space<hbm>> -> memref<128x128xf32, #tpu.memory_space<hbm>>
    %dma_start3A_330 = arith.constant 0 : i32
    %dma_start3A_331 = arith.constant 0 : i32
    %dma_start3A_332 = tpu.memref_slice %arg4[%add3A_320, %dma_start3A_330, %dma_start3A_331] : memref<6400x128x128xf32, #tpu.memory_space<hbm>> -> memref<1x128x128xf32, #tpu.memory_space<hbm>>
    %dma_start3A_333 = tpu.memref_squeeze %dma_start3A_332 : memref<1x128x128xf32, #tpu.memory_space<hbm>> -> memref<128x128xf32, #tpu.memory_space<hbm>>
    %dma_start3A_334 = arith.constant 0 : i32
    %dma_start3A_335 = arith.constant 0 : i32
    %dma_start3A_336 = tpu.memref_slice %arg6[%dma_start3A_321, %dma_start3A_334, %dma_start3A_335] : memref<5x128x128xf32, #tpu.memory_space<vmem>> -> memref<1x128x128xf32, #tpu.memory_space<vmem>>
    %dma_start3A_337 = tpu.memref_squeeze %dma_start3A_336 : memref<1x128x128xf32, #tpu.memory_space<vmem>> -> memref<128x128xf32, #tpu.memory_space<vmem>>
    tpu.enqueue_dma source(%dma_start3A_337 : memref<128x128xf32, #tpu.memory_space<vmem>>) target(%dma_start3A_333 : memref<128x128xf32, #tpu.memory_space<hbm>>) target_semaphore(%arg12 : memref<!tpu.dma_semaphore, #tpu.memory_space<semaphore_mem>>)
    %dma_wait3A_338 = arith.constant 3 : i32
    %dma_wait3A_339 = arith.constant 0 : i32
    %dma_wait3A_340 = arith.constant 0 : i32
    %dma_wait3A_341 = tpu.memref_slice %arg6[%dma_wait3A_338, %dma_wait3A_339, %dma_wait3A_340] : memref<5x128x128xf32, #tpu.memory_space<vmem>> -> memref<1x128x128xf32, #tpu.memory_space<vmem>>
    %dma_wait3A_342 = tpu.memref_squeeze %dma_wait3A_341 : memref<1x128x128xf32, #tpu.memory_space<vmem>> -> memref<128x128xf32, #tpu.memory_space<vmem>>
    %dma_wait3A_343 = arith.constant 0 : i32
    %dma_wait3A_344 = arith.constant 0 : i32
    %dma_wait3A_345 = tpu.memref_slice %arg4[%mul3A_2, %dma_wait3A_343, %dma_wait3A_344] : memref<6400x128x128xf32, #tpu.memory_space<hbm>> -> memref<1x128x128xf32, #tpu.memory_space<hbm>>
    %dma_wait3A_346 = tpu.memref_squeeze %dma_wait3A_345 : memref<1x128x128xf32, #tpu.memory_space<hbm>> -> memref<128x128xf32, #tpu.memory_space<hbm>>
    %dma_wait3A_347 = arith.constant 0 : i32
    %dma_wait3A_348 = arith.constant 0 : i32
    %dma_wait3A_349 = tpu.memref_slice %arg4[%mul3A_2, %dma_wait3A_347, %dma_wait3A_348] : memref<6400x128x128xf32, #tpu.memory_space<hbm>> -> memref<1x128x128xf32, #tpu.memory_space<hbm>>
    %dma_wait3A_350 = tpu.memref_squeeze %dma_wait3A_349 : memref<1x128x128xf32, #tpu.memory_space<hbm>> -> memref<128x128xf32, #tpu.memory_space<hbm>>
    %dma_wait3A_351 = arith.constant 0 : i32
    %dma_wait3A_352 = arith.constant 0 : i32
    %dma_wait3A_353 = tpu.memref_slice %arg6[%dma_wait3A_338, %dma_wait3A_351, %dma_wait3A_352] : memref<5x128x128xf32, #tpu.memory_space<vmem>> -> memref<1x128x128xf32, #tpu.memory_space<vmem>>
    %dma_wait3A_354 = tpu.memref_squeeze %dma_wait3A_353 : memref<1x128x128xf32, #tpu.memory_space<vmem>> -> memref<128x128xf32, #tpu.memory_space<vmem>>
    tpu.wait_dma2 semaphore(%arg15 : memref<!tpu.dma_semaphore, #tpu.memory_space<semaphore_mem>>) src(%dma_wait3A_354 : memref<128x128xf32, #tpu.memory_space<vmem>>) dst(%dma_wait3A_350 : memref<128x128xf32, #tpu.memory_space<hbm>>)
    %dma_start3A_355 = arith.constant 198 : i32
    %dma_start3A_356 = arith.constant 3 : i32
    %dma_start3A_357 = arith.constant 0 : i32
    %dma_start3A_358 = arith.constant 0 : i32
    %dma_start3A_359 = tpu.memref_slice %arg6[%dma_start3A_356, %dma_start3A_357, %dma_start3A_358] : memref<5x128x128xf32, #tpu.memory_space<vmem>> -> memref<1x128x128xf32, #tpu.memory_space<vmem>>
    %dma_start3A_360 = tpu.memref_squeeze %dma_start3A_359 : memref<1x128x128xf32, #tpu.memory_space<vmem>> -> memref<128x128xf32, #tpu.memory_space<vmem>>
    %dma_start3A_361 = arith.constant 0 : i32
    %dma_start3A_362 = tpu.memref_slice %arg5[%dma_start3A_355, %dma_start3A_361] : memref<200x128xi32, #tpu.memory_space<vmem>> -> memref<1x128xi32, #tpu.memory_space<vmem>>
    %dma_start3A_363 = tpu.memref_squeeze %dma_start3A_362 : memref<1x128xi32, #tpu.memory_space<vmem>> -> memref<128xi32, #tpu.memory_space<vmem>>
    %dma_start3A_364 = arith.constant 0 : i32
    %dma_start3A_365 = arith.constant 0 : i32
    %dma_start3A_366 = tpu.memref_slice %arg3[%dma_start3A_364, %dma_start3A_365] : memref<100000x128xf32, #tpu.memory_space<hbm>> -> memref<100000x128xf32, #tpu.memory_space<hbm>>
    tpu.enqueue_indirect_dma source(%dma_start3A_366 : memref<100000x128xf32, #tpu.memory_space<hbm>>) target(%dma_start3A_360 : memref<128x128xf32, #tpu.memory_space<vmem>>) offsets(%dma_start3A_363 : memref<128xi32, #tpu.memory_space<vmem>>) semaphore(%arg10 : memref<!tpu.dma_semaphore, #tpu.memory_space<semaphore_mem>>)
    %dma_wait3A_367 = arith.constant 196 : i32
    %dma_wait3A_368 = arith.constant 1 : i32
    %dma_wait3A_369 = arith.constant 0 : i32
    %dma_wait3A_370 = arith.constant 0 : i32
    %dma_wait3A_371 = tpu.memref_slice %arg6[%dma_wait3A_368, %dma_wait3A_369, %dma_wait3A_370] : memref<5x128x128xf32, #tpu.memory_space<vmem>> -> memref<1x128x128xf32, #tpu.memory_space<vmem>>
    %dma_wait3A_372 = tpu.memref_squeeze %dma_wait3A_371 : memref<1x128x128xf32, #tpu.memory_space<vmem>> -> memref<128x128xf32, #tpu.memory_space<vmem>>
    %dma_wait3A_373 = arith.constant 0 : i32
    %dma_wait3A_374 = tpu.memref_slice %arg5[%dma_wait3A_367, %dma_wait3A_373] : memref<200x128xi32, #tpu.memory_space<vmem>> -> memref<1x128xi32, #tpu.memory_space<vmem>>
    %dma_wait3A_375 = tpu.memref_squeeze %dma_wait3A_374 : memref<1x128xi32, #tpu.memory_space<vmem>> -> memref<128xi32, #tpu.memory_space<vmem>>
    %dma_wait3A_376 = arith.constant 0 : i32
    %dma_wait3A_377 = arith.constant 0 : i32
    %dma_wait3A_378 = tpu.memref_slice %arg3[%dma_wait3A_376, %dma_wait3A_377] : memref<100000x128xf32, #tpu.memory_space<hbm>> -> memref<100000x128xf32, #tpu.memory_space<hbm>>
    tpu.wait_indirect_dma semaphore(%arg8 : memref<!tpu.dma_semaphore, #tpu.memory_space<semaphore_mem>>) src(%dma_wait3A_378 : memref<100000x128xf32, #tpu.memory_space<hbm>>) dst(%dma_wait3A_372 : memref<128x128xf32, #tpu.memory_space<vmem>>)
    %add3A_379 = arith.constant 196 : i32
    %add3A_380 = arith.addi %mul3A_2, %add3A_379 : i32
    %dma_start3A_381 = arith.constant 1 : i32
    %dma_start3A_382 = arith.constant 0 : i32
    %dma_start3A_383 = arith.constant 0 : i32
    %dma_start3A_384 = tpu.memref_slice %arg6[%dma_start3A_381, %dma_start3A_382, %dma_start3A_383] : memref<5x128x128xf32, #tpu.memory_space<vmem>> -> memref<1x128x128xf32, #tpu.memory_space<vmem>>
    %dma_start3A_385 = tpu.memref_squeeze %dma_start3A_384 : memref<1x128x128xf32, #tpu.memory_space<vmem>> -> memref<128x128xf32, #tpu.memory_space<vmem>>
    %dma_start3A_386 = arith.constant 0 : i32
    %dma_start3A_387 = arith.constant 0 : i32
    %dma_start3A_388 = tpu.memref_slice %arg4[%add3A_380, %dma_start3A_386, %dma_start3A_387] : memref<6400x128x128xf32, #tpu.memory_space<hbm>> -> memref<1x128x128xf32, #tpu.memory_space<hbm>>
    %dma_start3A_389 = tpu.memref_squeeze %dma_start3A_388 : memref<1x128x128xf32, #tpu.memory_space<hbm>> -> memref<128x128xf32, #tpu.memory_space<hbm>>
    %dma_start3A_390 = arith.constant 0 : i32
    %dma_start3A_391 = arith.constant 0 : i32
    %dma_start3A_392 = tpu.memref_slice %arg4[%add3A_380, %dma_start3A_390, %dma_start3A_391] : memref<6400x128x128xf32, #tpu.memory_space<hbm>> -> memref<1x128x128xf32, #tpu.memory_space<hbm>>
    %dma_start3A_393 = tpu.memref_squeeze %dma_start3A_392 : memref<1x128x128xf32, #tpu.memory_space<hbm>> -> memref<128x128xf32, #tpu.memory_space<hbm>>
    %dma_start3A_394 = arith.constant 0 : i32
    %dma_start3A_395 = arith.constant 0 : i32
    %dma_start3A_396 = tpu.memref_slice %arg6[%dma_start3A_381, %dma_start3A_394, %dma_start3A_395] : memref<5x128x128xf32, #tpu.memory_space<vmem>> -> memref<1x128x128xf32, #tpu.memory_space<vmem>>
    %dma_start3A_397 = tpu.memref_squeeze %dma_start3A_396 : memref<1x128x128xf32, #tpu.memory_space<vmem>> -> memref<128x128xf32, #tpu.memory_space<vmem>>
    tpu.enqueue_dma source(%dma_start3A_397 : memref<128x128xf32, #tpu.memory_space<vmem>>) target(%dma_start3A_393 : memref<128x128xf32, #tpu.memory_space<hbm>>) target_semaphore(%arg13 : memref<!tpu.dma_semaphore, #tpu.memory_space<semaphore_mem>>)
    %dma_wait3A_398 = arith.constant 4 : i32
    %dma_wait3A_399 = arith.constant 0 : i32
    %dma_wait3A_400 = arith.constant 0 : i32
    %dma_wait3A_401 = tpu.memref_slice %arg6[%dma_wait3A_398, %dma_wait3A_399, %dma_wait3A_400] : memref<5x128x128xf32, #tpu.memory_space<vmem>> -> memref<1x128x128xf32, #tpu.memory_space<vmem>>
    %dma_wait3A_402 = tpu.memref_squeeze %dma_wait3A_401 : memref<1x128x128xf32, #tpu.memory_space<vmem>> -> memref<128x128xf32, #tpu.memory_space<vmem>>
    %dma_wait3A_403 = arith.constant 0 : i32
    %dma_wait3A_404 = arith.constant 0 : i32
    %dma_wait3A_405 = tpu.memref_slice %arg4[%mul3A_2, %dma_wait3A_403, %dma_wait3A_404] : memref<6400x128x128xf32, #tpu.memory_space<hbm>> -> memref<1x128x128xf32, #tpu.memory_space<hbm>>
    %dma_wait3A_406 = tpu.memref_squeeze %dma_wait3A_405 : memref<1x128x128xf32, #tpu.memory_space<hbm>> -> memref<128x128xf32, #tpu.memory_space<hbm>>
    %dma_wait3A_407 = arith.constant 0 : i32
    %dma_wait3A_408 = arith.constant 0 : i32
    %dma_wait3A_409 = tpu.memref_slice %arg4[%mul3A_2, %dma_wait3A_407, %dma_wait3A_408] : memref<6400x128x128xf32, #tpu.memory_space<hbm>> -> memref<1x128x128xf32, #tpu.memory_space<hbm>>
    %dma_wait3A_410 = tpu.memref_squeeze %dma_wait3A_409 : memref<1x128x128xf32, #tpu.memory_space<hbm>> -> memref<128x128xf32, #tpu.memory_space<hbm>>
    %dma_wait3A_411 = arith.constant 0 : i32
    %dma_wait3A_412 = arith.constant 0 : i32
    %dma_wait3A_413 = tpu.memref_slice %arg6[%dma_wait3A_398, %dma_wait3A_411, %dma_wait3A_412] : memref<5x128x128xf32, #tpu.memory_space<vmem>> -> memref<1x128x128xf32, #tpu.memory_space<vmem>>
    %dma_wait3A_414 = tpu.memref_squeeze %dma_wait3A_413 : memref<1x128x128xf32, #tpu.memory_space<vmem>> -> memref<128x128xf32, #tpu.memory_space<vmem>>
    tpu.wait_dma2 semaphore(%arg16 : memref<!tpu.dma_semaphore, #tpu.memory_space<semaphore_mem>>) src(%dma_wait3A_414 : memref<128x128xf32, #tpu.memory_space<vmem>>) dst(%dma_wait3A_410 : memref<128x128xf32, #tpu.memory_space<hbm>>)
    %dma_start3A_415 = arith.constant 199 : i32
    %dma_start3A_416 = arith.constant 4 : i32
    %dma_start3A_417 = arith.constant 0 : i32
    %dma_start3A_418 = arith.constant 0 : i32
    %dma_start3A_419 = tpu.memref_slice %arg6[%dma_start3A_416, %dma_start3A_417, %dma_start3A_418] : memref<5x128x128xf32, #tpu.memory_space<vmem>> -> memref<1x128x128xf32, #tpu.memory_space<vmem>>
    %dma_start3A_420 = tpu.memref_squeeze %dma_start3A_419 : memref<1x128x128xf32, #tpu.memory_space<vmem>> -> memref<128x128xf32, #tpu.memory_space<vmem>>
    %dma_start3A_421 = arith.constant 0 : i32
    %dma_start3A_422 = tpu.memref_slice %arg5[%dma_start3A_415, %dma_start3A_421] : memref<200x128xi32, #tpu.memory_space<vmem>> -> memref<1x128xi32, #tpu.memory_space<vmem>>
    %dma_start3A_423 = tpu.memref_squeeze %dma_start3A_422 : memref<1x128xi32, #tpu.memory_space<vmem>> -> memref<128xi32, #tpu.memory_space<vmem>>
    %dma_start3A_424 = arith.constant 0 : i32
    %dma_start3A_425 = arith.constant 0 : i32
    %dma_start3A_426 = tpu.memref_slice %arg3[%dma_start3A_424, %dma_start3A_425] : memref<100000x128xf32, #tpu.memory_space<hbm>> -> memref<100000x128xf32, #tpu.memory_space<hbm>>
    tpu.enqueue_indirect_dma source(%dma_start3A_426 : memref<100000x128xf32, #tpu.memory_space<hbm>>) target(%dma_start3A_420 : memref<128x128xf32, #tpu.memory_space<vmem>>) offsets(%dma_start3A_423 : memref<128xi32, #tpu.memory_space<vmem>>) semaphore(%arg11 : memref<!tpu.dma_semaphore, #tpu.memory_space<semaphore_mem>>)
    %dma_wait3A_427 = arith.constant 197 : i32
    %dma_wait3A_428 = arith.constant 2 : i32
    %dma_wait3A_429 = arith.constant 0 : i32
    %dma_wait3A_430 = arith.constant 0 : i32
    %dma_wait3A_431 = tpu.memref_slice %arg6[%dma_wait3A_428, %dma_wait3A_429, %dma_wait3A_430] : memref<5x128x128xf32, #tpu.memory_space<vmem>> -> memref<1x128x128xf32, #tpu.memory_space<vmem>>
    %dma_wait3A_432 = tpu.memref_squeeze %dma_wait3A_431 : memref<1x128x128xf32, #tpu.memory_space<vmem>> -> memref<128x128xf32, #tpu.memory_space<vmem>>
    %dma_wait3A_433 = arith.constant 0 : i32
    %dma_wait3A_434 = tpu.memref_slice %arg5[%dma_wait3A_427, %dma_wait3A_433] : memref<200x128xi32, #tpu.memory_space<vmem>> -> memref<1x128xi32, #tpu.memory_space<vmem>>
    %dma_wait3A_435 = tpu.memref_squeeze %dma_wait3A_434 : memref<1x128xi32, #tpu.memory_space<vmem>> -> memref<128xi32, #tpu.memory_space<vmem>>
    %dma_wait3A_436 = arith.constant 0 : i32
    %dma_wait3A_437 = arith.constant 0 : i32
    %dma_wait3A_438 = tpu.memref_slice %arg3[%dma_wait3A_436, %dma_wait3A_437] : memref<100000x128xf32, #tpu.memory_space<hbm>> -> memref<100000x128xf32, #tpu.memory_space<hbm>>
    tpu.wait_indirect_dma semaphore(%arg9 : memref<!tpu.dma_semaphore, #tpu.memory_space<semaphore_mem>>) src(%dma_wait3A_438 : memref<100000x128xf32, #tpu.memory_space<hbm>>) dst(%dma_wait3A_432 : memref<128x128xf32, #tpu.memory_space<vmem>>)
    %add3A_439 = arith.constant 197 : i32
    %add3A_440 = arith.addi %mul3A_2, %add3A_439 : i32
    %dma_start3A_441 = arith.constant 2 : i32
    %dma_start3A_442 = arith.constant 0 : i32
    %dma_start3A_443 = arith.constant 0 : i32
    %dma_start3A_444 = tpu.memref_slice %arg6[%dma_start3A_441, %dma_start3A_442, %dma_start3A_443] : memref<5x128x128xf32, #tpu.memory_space<vmem>> -> memref<1x128x128xf32, #tpu.memory_space<vmem>>
    %dma_start3A_445 = tpu.memref_squeeze %dma_start3A_444 : memref<1x128x128xf32, #tpu.memory_space<vmem>> -> memref<128x128xf32, #tpu.memory_space<vmem>>
    %dma_start3A_446 = arith.constant 0 : i32
    %dma_start3A_447 = arith.constant 0 : i32
    %dma_start3A_448 = tpu.memref_slice %arg4[%add3A_440, %dma_start3A_446, %dma_start3A_447] : memref<6400x128x128xf32, #tpu.memory_space<hbm>> -> memref<1x128x128xf32, #tpu.memory_space<hbm>>
    %dma_start3A_449 = tpu.memref_squeeze %dma_start3A_448 : memref<1x128x128xf32, #tpu.memory_space<hbm>> -> memref<128x128xf32, #tpu.memory_space<hbm>>
    %dma_start3A_450 = arith.constant 0 : i32
    %dma_start3A_451 = arith.constant 0 : i32
    %dma_start3A_452 = tpu.memref_slice %arg4[%add3A_440, %dma_start3A_450, %dma_start3A_451] : memref<6400x128x128xf32, #tpu.memory_space<hbm>> -> memref<1x128x128xf32, #tpu.memory_space<hbm>>
    %dma_start3A_453 = tpu.memref_squeeze %dma_start3A_452 : memref<1x128x128xf32, #tpu.memory_space<hbm>> -> memref<128x128xf32, #tpu.memory_space<hbm>>
    %dma_start3A_454 = arith.constant 0 : i32
    %dma_start3A_455 = arith.constant 0 : i32
    %dma_start3A_456 = tpu.memref_slice %arg6[%dma_start3A_441, %dma_start3A_454, %dma_start3A_455] : memref<5x128x128xf32, #tpu.memory_space<vmem>> -> memref<1x128x128xf32, #tpu.memory_space<vmem>>
    %dma_start3A_457 = tpu.memref_squeeze %dma_start3A_456 : memref<1x128x128xf32, #tpu.memory_space<vmem>> -> memref<128x128xf32, #tpu.memory_space<vmem>>
    tpu.enqueue_dma source(%dma_start3A_457 : memref<128x128xf32, #tpu.memory_space<vmem>>) target(%dma_start3A_453 : memref<128x128xf32, #tpu.memory_space<hbm>>) target_semaphore(%arg14 : memref<!tpu.dma_semaphore, #tpu.memory_space<semaphore_mem>>)
    %dma_wait3A_458 = arith.constant 0 : i32
    %dma_wait3A_459 = arith.constant 0 : i32
    %dma_wait3A_460 = arith.constant 0 : i32
    %dma_wait3A_461 = tpu.memref_slice %arg6[%dma_wait3A_458, %dma_wait3A_459, %dma_wait3A_460] : memref<5x128x128xf32, #tpu.memory_space<vmem>> -> memref<1x128x128xf32, #tpu.memory_space<vmem>>
    %dma_wait3A_462 = tpu.memref_squeeze %dma_wait3A_461 : memref<1x128x128xf32, #tpu.memory_space<vmem>> -> memref<128x128xf32, #tpu.memory_space<vmem>>
    %dma_wait3A_463 = arith.constant 0 : i32
    %dma_wait3A_464 = arith.constant 0 : i32
    %dma_wait3A_465 = tpu.memref_slice %arg4[%mul3A_2, %dma_wait3A_463, %dma_wait3A_464] : memref<6400x128x128xf32, #tpu.memory_space<hbm>> -> memref<1x128x128xf32, #tpu.memory_space<hbm>>
    %dma_wait3A_466 = tpu.memref_squeeze %dma_wait3A_465 : memref<1x128x128xf32, #tpu.memory_space<hbm>> -> memref<128x128xf32, #tpu.memory_space<hbm>>
    %dma_wait3A_467 = arith.constant 0 : i32
    %dma_wait3A_468 = arith.constant 0 : i32
    %dma_wait3A_469 = tpu.memref_slice %arg4[%mul3A_2, %dma_wait3A_467, %dma_wait3A_468] : memref<6400x128x128xf32, #tpu.memory_space<hbm>> -> memref<1x128x128xf32, #tpu.memory_space<hbm>>
    %dma_wait3A_470 = tpu.memref_squeeze %dma_wait3A_469 : memref<1x128x128xf32, #tpu.memory_space<hbm>> -> memref<128x128xf32, #tpu.memory_space<hbm>>
    %dma_wait3A_471 = arith.constant 0 : i32
    %dma_wait3A_472 = arith.constant 0 : i32
    %dma_wait3A_473 = tpu.memref_slice %arg6[%dma_wait3A_458, %dma_wait3A_471, %dma_wait3A_472] : memref<5x128x128xf32, #tpu.memory_space<vmem>> -> memref<1x128x128xf32, #tpu.memory_space<vmem>>
    %dma_wait3A_474 = tpu.memref_squeeze %dma_wait3A_473 : memref<1x128x128xf32, #tpu.memory_space<vmem>> -> memref<128x128xf32, #tpu.memory_space<vmem>>
    tpu.wait_dma2 semaphore(%arg12 : memref<!tpu.dma_semaphore, #tpu.memory_space<semaphore_mem>>) src(%dma_wait3A_474 : memref<128x128xf32, #tpu.memory_space<vmem>>) dst(%dma_wait3A_470 : memref<128x128xf32, #tpu.memory_space<hbm>>)
    %dma_wait3A_475 = arith.constant 198 : i32
    %dma_wait3A_476 = arith.constant 3 : i32
    %dma_wait3A_477 = arith.constant 0 : i32
    %dma_wait3A_478 = arith.constant 0 : i32
    %dma_wait3A_479 = tpu.memref_slice %arg6[%dma_wait3A_476, %dma_wait3A_477, %dma_wait3A_478] : memref<5x128x128xf32, #tpu.memory_space<vmem>> -> memref<1x128x128xf32, #tpu.memory_space<vmem>>
    %dma_wait3A_480 = tpu.memref_squeeze %dma_wait3A_479 : memref<1x128x128xf32, #tpu.memory_space<vmem>> -> memref<128x128xf32, #tpu.memory_space<vmem>>
    %dma_wait3A_481 = arith.constant 0 : i32
    %dma_wait3A_482 = tpu.memref_slice %arg5[%dma_wait3A_475, %dma_wait3A_481] : memref<200x128xi32, #tpu.memory_space<vmem>> -> memref<1x128xi32, #tpu.memory_space<vmem>>
    %dma_wait3A_483 = tpu.memref_squeeze %dma_wait3A_482 : memref<1x128xi32, #tpu.memory_space<vmem>> -> memref<128xi32, #tpu.memory_space<vmem>>
    %dma_wait3A_484 = arith.constant 0 : i32
    %dma_wait3A_485 = arith.constant 0 : i32
    %dma_wait3A_486 = tpu.memref_slice %arg3[%dma_wait3A_484, %dma_wait3A_485] : memref<100000x128xf32, #tpu.memory_space<hbm>> -> memref<100000x128xf32, #tpu.memory_space<hbm>>
    tpu.wait_indirect_dma semaphore(%arg10 : memref<!tpu.dma_semaphore, #tpu.memory_space<semaphore_mem>>) src(%dma_wait3A_486 : memref<100000x128xf32, #tpu.memory_space<hbm>>) dst(%dma_wait3A_480 : memref<128x128xf32, #tpu.memory_space<vmem>>)
    %add3A_487 = arith.constant 198 : i32
    %add3A_488 = arith.addi %mul3A_2, %add3A_487 : i32
    %dma_start3A_489 = arith.constant 3 : i32
    %dma_start3A_490 = arith.constant 0 : i32
    %dma_start3A_491 = arith.constant 0 : i32
    %dma_start3A_492 = tpu.memref_slice %arg6[%dma_start3A_489, %dma_start3A_490, %dma_start3A_491] : memref<5x128x128xf32, #tpu.memory_space<vmem>> -> memref<1x128x128xf32, #tpu.memory_space<vmem>>
    %dma_start3A_493 = tpu.memref_squeeze %dma_start3A_492 : memref<1x128x128xf32, #tpu.memory_space<vmem>> -> memref<128x128xf32, #tpu.memory_space<vmem>>
    %dma_start3A_494 = arith.constant 0 : i32
    %dma_start3A_495 = arith.constant 0 : i32
    %dma_start3A_496 = tpu.memref_slice %arg4[%add3A_488, %dma_start3A_494, %dma_start3A_495] : memref<6400x128x128xf32, #tpu.memory_space<hbm>> -> memref<1x128x128xf32, #tpu.memory_space<hbm>>
    %dma_start3A_497 = tpu.memref_squeeze %dma_start3A_496 : memref<1x128x128xf32, #tpu.memory_space<hbm>> -> memref<128x128xf32, #tpu.memory_space<hbm>>
    %dma_start3A_498 = arith.constant 0 : i32
    %dma_start3A_499 = arith.constant 0 : i32
    %dma_start3A_500 = tpu.memref_slice %arg4[%add3A_488, %dma_start3A_498, %dma_start3A_499] : memref<6400x128x128xf32, #tpu.memory_space<hbm>> -> memref<1x128x128xf32, #tpu.memory_space<hbm>>
    %dma_start3A_501 = tpu.memref_squeeze %dma_start3A_500 : memref<1x128x128xf32, #tpu.memory_space<hbm>> -> memref<128x128xf32, #tpu.memory_space<hbm>>
    %dma_start3A_502 = arith.constant 0 : i32
    %dma_start3A_503 = arith.constant 0 : i32
    %dma_start3A_504 = tpu.memref_slice %arg6[%dma_start3A_489, %dma_start3A_502, %dma_start3A_503] : memref<5x128x128xf32, #tpu.memory_space<vmem>> -> memref<1x128x128xf32, #tpu.memory_space<vmem>>
    %dma_start3A_505 = tpu.memref_squeeze %dma_start3A_504 : memref<1x128x128xf32, #tpu.memory_space<vmem>> -> memref<128x128xf32, #tpu.memory_space<vmem>>
    tpu.enqueue_dma source(%dma_start3A_505 : memref<128x128xf32, #tpu.memory_space<vmem>>) target(%dma_start3A_501 : memref<128x128xf32, #tpu.memory_space<hbm>>) target_semaphore(%arg15 : memref<!tpu.dma_semaphore, #tpu.memory_space<semaphore_mem>>)
    %dma_wait3A_506 = arith.constant 1 : i32
    %dma_wait3A_507 = arith.constant 0 : i32
    %dma_wait3A_508 = arith.constant 0 : i32
    %dma_wait3A_509 = tpu.memref_slice %arg6[%dma_wait3A_506, %dma_wait3A_507, %dma_wait3A_508] : memref<5x128x128xf32, #tpu.memory_space<vmem>> -> memref<1x128x128xf32, #tpu.memory_space<vmem>>
    %dma_wait3A_510 = tpu.memref_squeeze %dma_wait3A_509 : memref<1x128x128xf32, #tpu.memory_space<vmem>> -> memref<128x128xf32, #tpu.memory_space<vmem>>
    %dma_wait3A_511 = arith.constant 0 : i32
    %dma_wait3A_512 = arith.constant 0 : i32
    %dma_wait3A_513 = tpu.memref_slice %arg4[%mul3A_2, %dma_wait3A_511, %dma_wait3A_512] : memref<6400x128x128xf32, #tpu.memory_space<hbm>> -> memref<1x128x128xf32, #tpu.memory_space<hbm>>
    %dma_wait3A_514 = tpu.memref_squeeze %dma_wait3A_513 : memref<1x128x128xf32, #tpu.memory_space<hbm>> -> memref<128x128xf32, #tpu.memory_space<hbm>>
    %dma_wait3A_515 = arith.constant 0 : i32
    %dma_wait3A_516 = arith.constant 0 : i32
    %dma_wait3A_517 = tpu.memref_slice %arg4[%mul3A_2, %dma_wait3A_515, %dma_wait3A_516] : memref<6400x128x128xf32, #tpu.memory_space<hbm>> -> memref<1x128x128xf32, #tpu.memory_space<hbm>>
    %dma_wait3A_518 = tpu.memref_squeeze %dma_wait3A_517 : memref<1x128x128xf32, #tpu.memory_space<hbm>> -> memref<128x128xf32, #tpu.memory_space<hbm>>
    %dma_wait3A_519 = arith.constant 0 : i32
    %dma_wait3A_520 = arith.constant 0 : i32
    %dma_wait3A_521 = tpu.memref_slice %arg6[%dma_wait3A_506, %dma_wait3A_519, %dma_wait3A_520] : memref<5x128x128xf32, #tpu.memory_space<vmem>> -> memref<1x128x128xf32, #tpu.memory_space<vmem>>
    %dma_wait3A_522 = tpu.memref_squeeze %dma_wait3A_521 : memref<1x128x128xf32, #tpu.memory_space<vmem>> -> memref<128x128xf32, #tpu.memory_space<vmem>>
    tpu.wait_dma2 semaphore(%arg13 : memref<!tpu.dma_semaphore, #tpu.memory_space<semaphore_mem>>) src(%dma_wait3A_522 : memref<128x128xf32, #tpu.memory_space<vmem>>) dst(%dma_wait3A_518 : memref<128x128xf32, #tpu.memory_space<hbm>>)
    %dma_wait3A_523 = arith.constant 199 : i32
    %dma_wait3A_524 = arith.constant 4 : i32
    %dma_wait3A_525 = arith.constant 0 : i32
    %dma_wait3A_526 = arith.constant 0 : i32
    %dma_wait3A_527 = tpu.memref_slice %arg6[%dma_wait3A_524, %dma_wait3A_525, %dma_wait3A_526] : memref<5x128x128xf32, #tpu.memory_space<vmem>> -> memref<1x128x128xf32, #tpu.memory_space<vmem>>
    %dma_wait3A_528 = tpu.memref_squeeze %dma_wait3A_527 : memref<1x128x128xf32, #tpu.memory_space<vmem>> -> memref<128x128xf32, #tpu.memory_space<vmem>>
    %dma_wait3A_529 = arith.constant 0 : i32
    %dma_wait3A_530 = tpu.memref_slice %arg5[%dma_wait3A_523, %dma_wait3A_529] : memref<200x128xi32, #tpu.memory_space<vmem>> -> memref<1x128xi32, #tpu.memory_space<vmem>>
    %dma_wait3A_531 = tpu.memref_squeeze %dma_wait3A_530 : memref<1x128xi32, #tpu.memory_space<vmem>> -> memref<128xi32, #tpu.memory_space<vmem>>
    %dma_wait3A_532 = arith.constant 0 : i32
    %dma_wait3A_533 = arith.constant 0 : i32
    %dma_wait3A_534 = tpu.memref_slice %arg3[%dma_wait3A_532, %dma_wait3A_533] : memref<100000x128xf32, #tpu.memory_space<hbm>> -> memref<100000x128xf32, #tpu.memory_space<hbm>>
    tpu.wait_indirect_dma semaphore(%arg11 : memref<!tpu.dma_semaphore, #tpu.memory_space<semaphore_mem>>) src(%dma_wait3A_534 : memref<100000x128xf32, #tpu.memory_space<hbm>>) dst(%dma_wait3A_528 : memref<128x128xf32, #tpu.memory_space<vmem>>)
    %add3A_535 = arith.constant 199 : i32
    %add3A_536 = arith.addi %mul3A_2, %add3A_535 : i32
    %dma_start3A_537 = arith.constant 4 : i32
    %dma_start3A_538 = arith.constant 0 : i32
    %dma_start3A_539 = arith.constant 0 : i32
    %dma_start3A_540 = tpu.memref_slice %arg6[%dma_start3A_537, %dma_start3A_538, %dma_start3A_539] : memref<5x128x128xf32, #tpu.memory_space<vmem>> -> memref<1x128x128xf32, #tpu.memory_space<vmem>>
    %dma_start3A_541 = tpu.memref_squeeze %dma_start3A_540 : memref<1x128x128xf32, #tpu.memory_space<vmem>> -> memref<128x128xf32, #tpu.memory_space<vmem>>
    %dma_start3A_542 = arith.constant 0 : i32
    %dma_start3A_543 = arith.constant 0 : i32
    %dma_start3A_544 = tpu.memref_slice %arg4[%add3A_536, %dma_start3A_542, %dma_start3A_543] : memref<6400x128x128xf32, #tpu.memory_space<hbm>> -> memref<1x128x128xf32, #tpu.memory_space<hbm>>
    %dma_start3A_545 = tpu.memref_squeeze %dma_start3A_544 : memref<1x128x128xf32, #tpu.memory_space<hbm>> -> memref<128x128xf32, #tpu.memory_space<hbm>>
    %dma_start3A_546 = arith.constant 0 : i32
    %dma_start3A_547 = arith.constant 0 : i32
    %dma_start3A_548 = tpu.memref_slice %arg4[%add3A_536, %dma_start3A_546, %dma_start3A_547] : memref<6400x128x128xf32, #tpu.memory_space<hbm>> -> memref<1x128x128xf32, #tpu.memory_space<hbm>>
    %dma_start3A_549 = tpu.memref_squeeze %dma_start3A_548 : memref<1x128x128xf32, #tpu.memory_space<hbm>> -> memref<128x128xf32, #tpu.memory_space<hbm>>
    %dma_start3A_550 = arith.constant 0 : i32
    %dma_start3A_551 = arith.constant 0 : i32
    %dma_start3A_552 = tpu.memref_slice %arg6[%dma_start3A_537, %dma_start3A_550, %dma_start3A_551] : memref<5x128x128xf32, #tpu.memory_space<vmem>> -> memref<1x128x128xf32, #tpu.memory_space<vmem>>
    %dma_start3A_553 = tpu.memref_squeeze %dma_start3A_552 : memref<1x128x128xf32, #tpu.memory_space<vmem>> -> memref<128x128xf32, #tpu.memory_space<vmem>>
    tpu.enqueue_dma source(%dma_start3A_553 : memref<128x128xf32, #tpu.memory_space<vmem>>) target(%dma_start3A_549 : memref<128x128xf32, #tpu.memory_space<hbm>>) target_semaphore(%arg16 : memref<!tpu.dma_semaphore, #tpu.memory_space<semaphore_mem>>)
    %dma_wait3A_554 = arith.constant 2 : i32
    %dma_wait3A_555 = arith.constant 0 : i32
    %dma_wait3A_556 = arith.constant 0 : i32
    %dma_wait3A_557 = tpu.memref_slice %arg6[%dma_wait3A_554, %dma_wait3A_555, %dma_wait3A_556] : memref<5x128x128xf32, #tpu.memory_space<vmem>> -> memref<1x128x128xf32, #tpu.memory_space<vmem>>
    %dma_wait3A_558 = tpu.memref_squeeze %dma_wait3A_557 : memref<1x128x128xf32, #tpu.memory_space<vmem>> -> memref<128x128xf32, #tpu.memory_space<vmem>>
    %dma_wait3A_559 = arith.constant 0 : i32
    %dma_wait3A_560 = arith.constant 0 : i32
    %dma_wait3A_561 = tpu.memref_slice %arg4[%mul3A_2, %dma_wait3A_559, %dma_wait3A_560] : memref<6400x128x128xf32, #tpu.memory_space<hbm>> -> memref<1x128x128xf32, #tpu.memory_space<hbm>>
    %dma_wait3A_562 = tpu.memref_squeeze %dma_wait3A_561 : memref<1x128x128xf32, #tpu.memory_space<hbm>> -> memref<128x128xf32, #tpu.memory_space<hbm>>
    %dma_wait3A_563 = arith.constant 0 : i32
    %dma_wait3A_564 = arith.constant 0 : i32
    %dma_wait3A_565 = tpu.memref_slice %arg4[%mul3A_2, %dma_wait3A_563, %dma_wait3A_564] : memref<6400x128x128xf32, #tpu.memory_space<hbm>> -> memref<1x128x128xf32, #tpu.memory_space<hbm>>
    %dma_wait3A_566 = tpu.memref_squeeze %dma_wait3A_565 : memref<1x128x128xf32, #tpu.memory_space<hbm>> -> memref<128x128xf32, #tpu.memory_space<hbm>>
    %dma_wait3A_567 = arith.constant 0 : i32
    %dma_wait3A_568 = arith.constant 0 : i32
    %dma_wait3A_569 = tpu.memref_slice %arg6[%dma_wait3A_554, %dma_wait3A_567, %dma_wait3A_568] : memref<5x128x128xf32, #tpu.memory_space<vmem>> -> memref<1x128x128xf32, #tpu.memory_space<vmem>>
    %dma_wait3A_570 = tpu.memref_squeeze %dma_wait3A_569 : memref<1x128x128xf32, #tpu.memory_space<vmem>> -> memref<128x128xf32, #tpu.memory_space<vmem>>
    tpu.wait_dma2 semaphore(%arg14 : memref<!tpu.dma_semaphore, #tpu.memory_space<semaphore_mem>>) src(%dma_wait3A_570 : memref<128x128xf32, #tpu.memory_space<vmem>>) dst(%dma_wait3A_566 : memref<128x128xf32, #tpu.memory_space<hbm>>)
    %dma_wait3A_571 = arith.constant 3 : i32
    %dma_wait3A_572 = arith.constant 0 : i32
    %dma_wait3A_573 = arith.constant 0 : i32
    %dma_wait3A_574 = tpu.memref_slice %arg6[%dma_wait3A_571, %dma_wait3A_572, %dma_wait3A_573] : memref<5x128x128xf32, #tpu.memory_space<vmem>> -> memref<1x128x128xf32, #tpu.memory_space<vmem>>
    %dma_wait3A_575 = tpu.memref_squeeze %dma_wait3A_574 : memref<1x128x128xf32, #tpu.memory_space<vmem>> -> memref<128x128xf32, #tpu.memory_space<vmem>>
    %dma_wait3A_576 = arith.constant 0 : i32
    %dma_wait3A_577 = arith.constant 0 : i32
    %dma_wait3A_578 = tpu.memref_slice %arg4[%mul3A_2, %dma_wait3A_576, %dma_wait3A_577] : memref<6400x128x128xf32, #tpu.memory_space<hbm>> -> memref<1x128x128xf32, #tpu.memory_space<hbm>>
    %dma_wait3A_579 = tpu.memref_squeeze %dma_wait3A_578 : memref<1x128x128xf32, #tpu.memory_space<hbm>> -> memref<128x128xf32, #tpu.memory_space<hbm>>
    %dma_wait3A_580 = arith.constant 0 : i32
    %dma_wait3A_581 = arith.constant 0 : i32
    %dma_wait3A_582 = tpu.memref_slice %arg4[%mul3A_2, %dma_wait3A_580, %dma_wait3A_581] : memref<6400x128x128xf32, #tpu.memory_space<hbm>> -> memref<1x128x128xf32, #tpu.memory_space<hbm>>
    %dma_wait3A_583 = tpu.memref_squeeze %dma_wait3A_582 : memref<1x128x128xf32, #tpu.memory_space<hbm>> -> memref<128x128xf32, #tpu.memory_space<hbm>>
    %dma_wait3A_584 = arith.constant 0 : i32
    %dma_wait3A_585 = arith.constant 0 : i32
    %dma_wait3A_586 = tpu.memref_slice %arg6[%dma_wait3A_571, %dma_wait3A_584, %dma_wait3A_585] : memref<5x128x128xf32, #tpu.memory_space<vmem>> -> memref<1x128x128xf32, #tpu.memory_space<vmem>>
    %dma_wait3A_587 = tpu.memref_squeeze %dma_wait3A_586 : memref<1x128x128xf32, #tpu.memory_space<vmem>> -> memref<128x128xf32, #tpu.memory_space<vmem>>
    tpu.wait_dma2 semaphore(%arg15 : memref<!tpu.dma_semaphore, #tpu.memory_space<semaphore_mem>>) src(%dma_wait3A_587 : memref<128x128xf32, #tpu.memory_space<vmem>>) dst(%dma_wait3A_583 : memref<128x128xf32, #tpu.memory_space<hbm>>)
    %dma_wait3A_588 = arith.constant 4 : i32
    %dma_wait3A_589 = arith.constant 0 : i32
    %dma_wait3A_590 = arith.constant 0 : i32
    %dma_wait3A_591 = tpu.memref_slice %arg6[%dma_wait3A_588, %dma_wait3A_589, %dma_wait3A_590] : memref<5x128x128xf32, #tpu.memory_space<vmem>> -> memref<1x128x128xf32, #tpu.memory_space<vmem>>
    %dma_wait3A_592 = tpu.memref_squeeze %dma_wait3A_591 : memref<1x128x128xf32, #tpu.memory_space<vmem>> -> memref<128x128xf32, #tpu.memory_space<vmem>>
    %dma_wait3A_593 = arith.constant 0 : i32
    %dma_wait3A_594 = arith.constant 0 : i32
    %dma_wait3A_595 = tpu.memref_slice %arg4[%mul3A_2, %dma_wait3A_593, %dma_wait3A_594] : memref<6400x128x128xf32, #tpu.memory_space<hbm>> -> memref<1x128x128xf32, #tpu.memory_space<hbm>>
    %dma_wait3A_596 = tpu.memref_squeeze %dma_wait3A_595 : memref<1x128x128xf32, #tpu.memory_space<hbm>> -> memref<128x128xf32, #tpu.memory_space<hbm>>
    %dma_wait3A_597 = arith.constant 0 : i32
    %dma_wait3A_598 = arith.constant 0 : i32
    %dma_wait3A_599 = tpu.memref_slice %arg4[%mul3A_2, %dma_wait3A_597, %dma_wait3A_598] : memref<6400x128x128xf32, #tpu.memory_space<hbm>> -> memref<1x128x128xf32, #tpu.memory_space<hbm>>
    %dma_wait3A_600 = tpu.memref_squeeze %dma_wait3A_599 : memref<1x128x128xf32, #tpu.memory_space<hbm>> -> memref<128x128xf32, #tpu.memory_space<hbm>>
    %dma_wait3A_601 = arith.constant 0 : i32
    %dma_wait3A_602 = arith.constant 0 : i32
    %dma_wait3A_603 = tpu.memref_slice %arg6[%dma_wait3A_588, %dma_wait3A_601, %dma_wait3A_602] : memref<5x128x128xf32, #tpu.memory_space<vmem>> -> memref<1x128x128xf32, #tpu.memory_space<vmem>>
    %dma_wait3A_604 = tpu.memref_squeeze %dma_wait3A_603 : memref<1x128x128xf32, #tpu.memory_space<vmem>> -> memref<128x128xf32, #tpu.memory_space<vmem>>
    tpu.wait_dma2 semaphore(%arg16 : memref<!tpu.dma_semaphore, #tpu.memory_space<semaphore_mem>>) src(%dma_wait3A_604 : memref<128x128xf32, #tpu.memory_space<vmem>>) dst(%dma_wait3A_600 : memref<128x128xf32, #tpu.memory_space<hbm>>)
    return
  }
}

</mosaic_0001>

<sc_bundles>
// kernel: kernel.3.cloned.1.call-start
scs
__scs_entry_jumppad:
0x0: {  	(pc) =	sbr.rel $0x88, $3  }
0x1: {  	(tag) =	ssettag $0x0;
	lr =	simm.s32 $0x1  }
0x2: {  	[smem:$0x3F9F] =	sst lr;
	_ =	strace $0xD0000000  }
0x3: {  	_ = 	snop  }
0x4: {  	_ = 	snop  }
0x5: {  	_ = 	snop  }
0x6: {  	_ = 	snop  }
0x7: {  	_ = 	snop  }
__scs_overlays_trampoline_lowered:
0x8: {  	[smem:$0x3FAE] =	sst s0  }
0x9: {  	[smem:$0x3FAF] =	sst s1  }
0xa: {  	[smem:$0x3FB0] =	sst s2  }
0xb: {  	[smem:$0x3FB1] =	sst s3  }
0xc: {  	[smem:$0x3FB2] =	sst s4  }
0xd: {  	[smem:$0x3FB3] =	sst s5  }
0xe: {  	[smem:$0x3FB4] =	sst s6  }
0xf: {  	[smem:$0x3FB5] =	sst s7  }
0x10: {  	[smem:$0x3FB6] =	sst s8  }
0x11: {  	[smem:$0x3FB7] =	sst s9;
	s0 =	simm.s32 @!p0 $0x0  }
0x12: {  	s1 =	sld [smem:$0x3F9D];
	s0 =	simm.s32 @p0 $0x1  }
0x13: {  	[smem:$0x3FB8] =	sst s0;
	s0 =	simm.s32 @!p1 $0x0  }
0x14: {  	s2 =	sld [smem:$0x3F9C];
	s0 =	simm.s32 @p1 $0x1  }
0x15: {  	[smem:$0x3FB9] =	sst s0;
	s0 =	simm.s32 @!p2 $0x0  }
0x16: {  	s3 =	sld [smem:$0x3FDB];
	s0 =	simm.s32 @p2 $0x1  }
0x17: {  	s4 =	simm.s32 $0x1BF5;
	[smem:$0x3FBB] =	sst s0  }
0x18: {  	s0 =	sld [smem:$0x3F9E];
	_ =	swait.ge [sflag:s4], $0x0  }
0x19: {  	s7 =	sld [smem:$0x3F9F]  }
0x1a: {  	s8 =	sadd.s32 $0xFFFFE003, lr  }
0x1b: {  	s9 =	sadd.s32 $0xFFFFFEF7, lr;
	s5 =	simm.s32 $0xFFFFFFFF;
	p2 =	slt.u32 s8, $0xFFFFF086  }
0x1c: {  	p1 =	slt.u32 s9, $0xF7A;
	s5 =	simm.s32 @!p2 $0x0  }
0x1d: {  	s5 =	simm.s32 @p1 $0x1;
	p0 =	seq.s32 s7, s2  }
0x1e: {  	s7 =	smul.u32 @!p0 $0xF7A, s2;
	p2 =	seq.s32 @!p0 s5, $0x0  }
0x1f: {  	s9 =	smul.u32 $0xF7A, s1;
	s8 =	simm.s32 @!p0 $0x1BF5;
	p2 =	por !p2, p0  }
0x20: {  	[sflag:s8] =	ssyncset.s32 @!p0 $0xFFFFF086;
	s6 =	sadd.s32 @!p0 s3, s7;
	s7 =	simm.s32 @!p0 $0x108  }
0x21: {  	s3 =	sadd.s32 s3, s9;
	s6 =	sadd.s32 @!p0 $0x88, s6;
	s7 =	simm.s32 @p2 $0x1082  }
0x22: {  	[simem:s7], [sflag:s8] =	dma.local @!p0 [hbm:s6], $0xF7A  }
0x23: {  	s9 =	sor.u32 $0xD0000000, s2;
	s6 =	simm.s32 $0x108;
	_ =	swait.ge @!p0 [sflag:s8], $0x0  }
0x24: {  	s3 =	sadd.s32 $0x88, s3;
	s6 =	simm.s32 @!p1 $0x1082;
	[sflag:s4] =	ssyncset.s32 $0xFFFFF086  }
0x25: {  	[simem:s6], [sflag:s4] =	dma.local [hbm:s3], $0xF7A  }
0x26: {  	[smem:$0x3F9F] =	sst s1;
	(tag) =	ssettag s2;
	_ =	strace s9  }
0x27: {  	s1 =	sld [smem:$0x3FAF]  }
0x28: {  	s2 =	sld [smem:$0x3FB0]  }
0x29: {  	s4 =	sld [smem:$0x3FB2]  }
0x2a: {  	p0 =	seq.s32 s5, $0x0;
	s5 =	sld [smem:$0x3FB3]  }
0x2b: {  	s6 =	sld [smem:$0x3FB4]  }
0x2c: {  	s7 =	sld [smem:$0x3FB5]  }
0x2d: {  	s3 =	simm.s32 $0x108;
	s8 =	sld [smem:$0x3FB6]  }
0x2e: {  	s3 =	simm.s32 @!p0 $0x1082;
	s9 =	sld [smem:$0x3FB7]  }
0x2f: {  	lr =	sadd.s32 s0, s3;
	s0 =	sld [smem:$0x3FAE]  }
0x30: {  	s3 =	sld [smem:$0x3FB1]  }
0x31: {  	[smem:$0x3FBA] =	sst s10  }
0x32: {  	s10 =	sld [smem:$0x3FB8];
	_ =	sdelay $0x3  }
0x33: {  	p0 =	seq.s32 s10, $0x1;
	s10 =	sld [smem:$0x3FBA];
	_ =	sdelay $0x3  }
0x34: {  	[smem:$0x3FBA] =	sst s10  }
0x35: {  	s10 =	sld [smem:$0x3FB9];
	_ =	sdelay $0x3  }
0x36: {  	p1 =	seq.s32 s10, $0x1;
	s10 =	sld [smem:$0x3FBA];
	_ =	sdelay $0x3  }
0x37: {  	[smem:$0x3FBA] =	sst s10  }
0x38: {  	s10 =	sld [smem:$0x3FBB]  }
0x39: {  	_ = 	snop;
	(pc) =	sbr.ind lr, $3  }
0x3a: {  	_ = 	snop  }
0x3b: {  	_ = 	snop  }
0x3c: {  	p2 =	seq.s32 s10, $0x1;
	s10 =	sld [smem:$0x3FBA]  }
0x3d: {  	_ =	shalt  }
0x3e: {  	_ =	shalt  }
0x3f: {  	_ =	shalt  }
0x40: {  	_ =	shalt  }
0x41: {  	_ =	shalt  }
0x42: {  	_ =	shalt  }
0x43: {  	_ =	shalt  }
0x44: {  	_ =	shalt  }
0x45: {  	_ =	shalt  }
0x46: {  	_ =	shalt  }
0x47: {  	_ =	shalt  }
0x48: {  	_ =	shalt  }
0x49: {  	_ =	shalt  }
0x4a: {  	_ =	shalt  }
0x4b: {  	_ =	shalt  }
0x4c: {  	_ =	shalt  }
0x4d: {  	_ =	shalt  }
0x4e: {  	_ =	shalt  }
0x4f: {  	_ =	shalt  }
0x50: {  	_ =	shalt  }
0x51: {  	_ =	shalt  }
0x52: {  	_ =	shalt  }
0x53: {  	_ =	shalt  }
0x54: {  	_ =	shalt  }
0x55: {  	_ =	shalt  }
0x56: {  	_ =	shalt  }
0x57: {  	_ =	shalt  }
0x58: {  	_ =	shalt  }
0x59: {  	_ =	shalt  }
0x5a: {  	_ =	shalt  }
0x5b: {  	_ =	shalt  }
0x5c: {  	_ =	shalt  }
0x5d: {  	_ =	shalt  }
0x5e: {  	_ =	shalt  }
0x5f: {  	_ =	shalt  }
0x60: {  	_ =	shalt  }
0x61: {  	_ =	shalt  }
0x62: {  	_ =	shalt  }
0x63: {  	_ =	shalt  }
0x64: {  	_ =	shalt  }
0x65: {  	_ =	shalt  }
0x66: {  	_ =	shalt  }
0x67: {  	_ =	shalt  }
0x68: {  	_ =	shalt  }
0x69: {  	_ =	shalt  }
0x6a: {  	_ =	shalt  }
0x6b: {  	_ =	shalt  }
0x6c: {  	_ =	shalt  }
0x6d: {  	_ =	shalt  }
0x6e: {  	_ =	shalt  }
0x6f: {  	_ =	shalt  }
0x70: {  	_ =	shalt  }
0x71: {  	_ =	shalt  }
0x72: {  	_ =	shalt  }
0x73: {  	_ =	shalt  }
0x74: {  	_ =	shalt  }
0x75: {  	_ =	shalt  }
0x76: {  	_ =	shalt  }
0x77: {  	_ =	shalt  }
0x78: {  	_ =	shalt  }
0x79: {  	_ =	shalt  }
0x7a: {  	_ =	shalt  }
0x7b: {  	_ =	shalt  }
0x7c: {  	_ =	shalt  }
0x7d: {  	_ =	shalt  }
0x7e: {  	_ =	shalt  }
0x7f: {  	_ =	shalt  }
0x80: {  	_ =	shalt  }
0x81: {  	_ =	shalt  }
0x82: {  	_ =	shalt  }
0x83: {  	_ =	shalt  }
0x84: {  	_ =	shalt  }
0x85: {  	_ =	shalt  }
0x86: {  	_ =	shalt  }
0x87: {  	_ =	shalt  }
.Lfunc_end0:
.L_simem_size_0:
called_computation_lowered:
.L_overlay_start_0:
0x88: {  	s2 =	sld [smem:$0x3FD9]  }
0x89: {  	s3 =	sld [smem:$0x3FFE];
	_ =	sdelay $0x1  }
0x8a: {  	s1 =	srdreg.scid  }
0x8b: {  	s0 =	sand.u32 $0x1, s1  }
0x8c: {  	s17 =	sshll.u32 s0, $0xA;
	s2 =	sadd.s32 s3, s2  }
0x8d: {  	s2 =	sadd.s32 s2, s17  }
0x8e: {  	[smem:$0x3FC6] =	sst s2  }
0x8f: {  	_ = 	snop  }
0x90: {  	s2 =	sld [smem:$0x3FC8]  }
0x91: {  	s18 =	sld [smem:$0x3FD0];
	(tm) =	ssettm $0x1  }
0x92: {  	s4 =	sld [smem:$0x3FFB];
	_ =	sdelay $0x3  }
0x93: {  	_ =	strace s4  }
0x94: {  	s4 =	sld [smem:$0x3FFC];
	_ =	sdelay $0x3  }
0x95: {  	_ =	strace s4  }
0x96: {  	s4 =	sld [smem:$0x3FFD];
	_ =	sdelay $0x3  }
0x97: {  	_ =	strace s4  }
0x98: {  	_ =	strace $0x8FFFFFFF  }
0x99: {  	s19 =	sld [smem:$0x3FDB];
	_ =	sdelay $0x1  }
0x9a: {  	s5 =	simm.s32 $_scs_section_size  }
0x9b: {  	s6 =	simm.s32 $_size__tile_overlayer_lowered;
	s7 =	simm.s32 $_tile_overlayer_lowered  }
0x9c: {  	s22 =	simm.s32 $0x1BFF;
	s21 =	sshll.u32 s7, $0x1;
	s4 =	sadd.s32 s5, s19  }
0x9d: {  	s8 =	simm.s32 $0x0;
	s20 =	sshll.u32 s6, $0x1;
	s6 =	sadd.s32 s21, s4  }
0x9e: {  	[timem:s8], [sflag:s22] =	dma.local [hbm:s6], s20  }
0x9f: {  	_ =	swait.ge [sflag:s22], s20  }
0xa0: {  	s5 =	ssub.s32 $0x0, s20;
	[sflag:s22] =	ssyncset.done $0x0  }
0xa1: {  	[sflag:s22] =	ssyncadd.s32 s5;
	_ =	sdelay $0x1  }
0xa2: {  	s23 =	simm.s32 $0x1B8B  }
0xa3: {  	_ =	swait.ge [sflag:s23], $0x1  }
0xa4: {  	[sflag:s23] =	ssyncset.done $0x0  }
0xa5: {  	s25 =	simm.s32 $0x1B8E;
	s24 =	sld [smem:$0x3FFE];
	[sflag:s23] =	ssyncadd.s32 $0xFFFFFFFF  }
0xa6: {  	s26 =	simm.s32 $execute0_lowered;
	[smem:$0x3FD2] =	sst s25  }
0xa7: {  	s6 =	sshll.u32 s26, $0x1;
	_ =	strace $0x80000046;
	[dreg:$0x1] =	wrdreg $0xFFFFFFFF  }
0xa8: {  	s28 =	simm.s32 $_size_execute0_lowered;
	s4 =	sadd.s32 s4, s6;
	[dreg:$0x0] =	wrdreg $0x0  }
0xa9: {  	s6 =	sshll.u32 s28, $0x1;
	[dreg:$0x2] =	wrdreg s4  }
0xaa: {  	[dreg:$0x3] =	wrdreg s6  }
0xab: {  	[dreg:$0x4] =	wrdreg $0xC0  }
0xac: {  	_ =	task [dreg:s8], $0x5FFFF  }
0xad: {  	[dreg:$0x1] =	wrdreg $0xFFFFFFFF  }
0xae: {  	[dreg:$0x0] =	wrdreg $0x60  }
0xaf: {  	[dreg:$0x2] =	wrdreg s24  }
0xb0: {  	[dreg:$0x3] =	wrdreg s2  }
0xb1: {  	[dreg:$0x4] =	wrdreg s18  }
0xb2: {  	[dreg:$0x5] =	wrdreg $0x9  }
0xb3: {  	_ =	task.clear_ibuf [dreg:s8], $0x6FFFF;
	_ =	strace $0x90000046  }
0xb4: {  	s29 =	simm.s32 $0x9;
	_ =	strace $0x80000048  }
0xb5: {  	_ =	swait.ge [sflag:s29], $0x1  }
0xb6: {  	[sflag:s29] =	ssyncadd.s32 $0xFFFFFFFF  }
0xb7: {  	_ =	strace $0x90000048  }
0xb8: {  	_ =	sfence  }
0xb9: {  	s30 =	sld [smem:$0x0];
	_ =	sdelay $0x2  }
0xba: {  	s31 =	sshll.u32 s1, $0xD;
	s1 =	sshrl.u32 s1, $0x2  }
0xbb: {  	s3 =	sand.u32 $0x4000, s31;
	s1 =	sadd.s32 s1, s30  }
0xbc: {  	s0 =	sor.u32 s3, s0;
	s1 =	sshll.u32 s1, $0x11  }
0xbd: {  	s0 =	sor.u32 s1, s0  }
0xbe: {  	s0 =	sadd.s32 $0x8F2B, s0  }
0xbf: {  	[sflag:s0] =	ssyncadd.remote.s32 $0x1  }
0xc0: {  	_ =	sfence.sel $0xFFFF  }
0xc1: {  	[dreg:$0x0] =	wrdreg $0xFFFFFFFF;
	(pc) =	sbr.abs _section_cstart, $3  }
0xc2: {  	[dreg:$0x1] =	wrdreg $0xFFFFFFFF  }
0xc3: {  	_ =	task.clear_ibuf [dreg:s8], $0x2FFFF;
	_ =	strace $0x9FFFFFFF  }
0xc4: {  	(tm) =	ssettm $0x7FFFFFFF  }
0xc5: {  	_ =	shalt  }
tec
execute0_lowered:
.L_overlay_start_1:
0x0: {  	(tag) =	ssettag $0x1  }
0x1: {  	s0 =	rddreg [dreg:$0x0];
	s1 =	srdreg.scid  }
0x2: {  	s9 =	stileid.u32;
	s2 =	rddreg [dreg:$0x1]  }
0x3: {  	s3 =	rddreg [dreg:$0x2];
	s18 =	simm.s32 $0xB;
	s28 =	simm.s32 $0x2  }
0x4: {  	s1 =	sand.u32 $0x1, s1;
	s4 =	sshll.u32 s9, $0x1;
	s21 =	smul.u32 $0x190, s9  }
0x5: {  	s6 =	sor.u32 s1, s4;
	s7 =	ssub.s32 $0x2, s1;
	s1 =	smul.u32 $0xC8, s1  }
0x6: {  	s30 =	simm.s32 $0x16400;
	s31 =	simm.s32 $0x3;
	s5 =	smul.u32 $0xC80, s6  }
0x7: {  	s29 =	simm.s32 $0x8;
	s4 =	simm.s32 $0x0;
	s8 =	smul.u32 $0x64000, s6  }
0x8: {  	[smem:$0x7FF] =	sst s4;
	s19 =	sshrl.u32 s7, $0x1;
	s6 =	smul.u32 $0x320000, s6  }
0x9: {  	_ =	strace $0x80000047;
	s7 =	ssub.s32 s7, s19;
	s0 =	sadd.s32 s5, s0  }
0xa: {  	s19 =	simm.s32 $0x80;
	s5 =	sadd.s32 s3, s8;
	s0 =	sadd.s32 $0x400, s0  }
0xb: {  	s6 =	sshrl.u32 s6, $0x3;
	s20 =	sadd.s32 $0x800, s5;
	[dreg:$0x5] =	wrdreg s0  }
0xc: {  	s17 =	smax.u32 s7, $0x1;
	s8 =	sadd.s32 $0x1000, s5;
	[dreg:$0x6] =	wrdreg s20  }
0xd: {  	s7 =	simm.s32 $0xA;
	s22 =	sadd.s32 $0x1800, s5;
	[dreg:$0x7] =	wrdreg s8  }
0xe: {  	s23 =	sadd.s32 $0x2000, s5;
	s6 =	sadd.s32 s3, s6;
	[dreg:$0x8] =	wrdreg s22  }
0xf: {  	[dreg:$0x9] =	wrdreg s23;
	s24 =	sadd.s32 $0x61800, s6;
	s25 =	sadd.s32 $0x62000, s6  }
0x10: {  	s0 =	sadd.s32 s1, s21;
	s26 =	sadd.s32 $0x62800, s6;
	s14 =	sadd.s32 $0x63000, s6  }
0x11: {  	s16 =	sadd.s32 $0x63800, s6;
	s20 =	simm.s32 $0x6400;
	s21 =	simm.s32 $0xA400  }
0x12: {  	s23 =	simm.s32 $0xE400;
	s1 =	simm.s32 $0x6;
	[dreg:$0xa] =	wrdreg s24  }
0x13: {  	s22 =	simm.s32 $0x4;
	s6 =	simm.s32 $0x9;
	[dreg:$0xb] =	wrdreg s25  }
0x14: {  	s8 =	simm.s32 $0x0;
	[dreg:$0xc] =	wrdreg s26;
	s15 =	sshll.u32 s0, $0xB  }
0x15: {  	s24 =	simm.s32 $0x1;
	s26 =	simm.s32 $0x12400;
	s0 =	sadd.s32 $0x4000, s15  }
0x16: {  	s25 =	simm.s32 $0x7;
	[dreg:$0x4] =	wrdreg s0;
	s0 =	simm.s32 $0x5  }
.LBB2_1:
0x17: {  	s9 =	rddreg [dreg:$0x5]  }
0x18: {  	[tilespmem:s4], [sflag:$0xB] =	stream.linear.gather [hbm4b:s9+s4], $0x6400, $0x38;
	[tilespmem:$0x1A400] =	vst v63  }
0x19: {  	_ =	swait.ge [sflag:s18], $0x6400  }
0x1a: {  	[sflag:s18] =	ssyncset.done $0x0  }
0x1b: {  	[sflag:s18] =	ssyncadd.s32 $0xFFFF9C00  }
0x1c: {  	[tilespmem:s20], [sflag:$0x1] =	stream.indirect.gather [hbm4b:s2+s19], $0x80, s4, s19, $0xb8;
	[tilespmem:$0x1A400] =	vst v63  }
0x1d: {  	_ = 	snop  }
0x1e: {  	[tilespmem:s21], [sflag:$0x2] =	stream.indirect.gather [hbm4b:s2+s19], $0x80, s19, s19, $0xb8;
	[tilespmem:$0x1A400] =	vst v63  }
0x1f: {  	s13 =	simm.s32 $0x100  }
0x20: {  	[tilespmem:s23], [sflag:$0x3] =	stream.indirect.gather [hbm4b:s2+s19], $0x80, s13, s19, $0xb8;
	[tilespmem:$0x1A400] =	vst v63  }
0x21: {  	_ =	swait.ge [sflag:s24], $0x4000  }
0x22: {  	[sflag:s24] =	ssyncset.done $0x0  }
0x23: {  	[sflag:s24] =	ssyncadd.s32 $0xFFFFC000  }
0x24: {  	[hbm4b:s5+s4] =	stream.linear.scatter [tilespmem:s20], [sflag:$0x6], $0x4000, $0x38;
	[tilespmem:$0x1A400] =	vst v63  }
0x25: {  	s10 =	simm.s32 $0x180  }
0x26: {  	[tilespmem:s26], [sflag:$0x4] =	stream.indirect.gather [hbm4b:s2+s19], $0x80, s10, s19, $0xb8;
	[tilespmem:$0x1A400] =	vst v63  }
0x27: {  	_ =	swait.ge [sflag:s28], $0x4000  }
0x28: {  	[sflag:s28] =	ssyncset.done $0x0  }
0x29: {  	s11 =	rddreg [dreg:$0x6];
	[sflag:s28] =	ssyncadd.s32 $0xFFFFC000  }
0x2a: {  	[hbm4b:s11+s4] =	stream.linear.scatter [tilespmem:s21], [sflag:$0x7], $0x4000, $0x38;
	[tilespmem:$0x1A400] =	vst v63  }
0x2b: {  	s12 =	simm.s32 $0x200  }
0x2c: {  	[tilespmem:s30], [sflag:$0x5] =	stream.indirect.gather [hbm4b:s2+s19], $0x80, s12, s19, $0xb8;
	[tilespmem:$0x1A400] =	vst v63  }
0x2d: {  	_ =	swait.ge [sflag:s31], $0x4000  }
0x2e: {  	[sflag:s31] =	ssyncset.done $0x0  }
0x2f: {  	s13 =	rddreg [dreg:$0x7];
	[sflag:s31] =	ssyncadd.s32 $0xFFFFC000  }
0x30: {  	[hbm4b:s13+s4] =	stream.linear.scatter [tilespmem:s23], [sflag:$0x8], $0x4000, $0x38;
	[tilespmem:$0x1A400] =	vst v63  }
0x31: {  	_ =	swait.ge [sflag:s1], $0x4000  }
0x32: {  	[sflag:s1] =	ssyncset.done $0x0  }
0x33: {  	s10 =	simm.s32 $0x280;
	[sflag:s1] =	ssyncadd.s32 $0xFFFFC000  }
0x34: {  	[tilespmem:s20], [sflag:$0x1] =	stream.indirect.gather [hbm4b:s2+s19], $0x80, s10, s19, $0xb8;
	[tilespmem:$0x1A400] =	vst v63  }
0x35: {  	_ =	swait.ge [sflag:s22], $0x4000  }
0x36: {  	[sflag:s22] =	ssyncset.done $0x0  }
0x37: {  	s11 =	rddreg [dreg:$0x8];
	[sflag:s22] =	ssyncadd.s32 $0xFFFFC000  }
0x38: {  	[hbm4b:s11+s4] =	stream.linear.scatter [tilespmem:s26], [sflag:$0x9], $0x4000, $0x38;
	[tilespmem:$0x1A400] =	vst v63  }
0x39: {  	_ =	swait.ge [sflag:s25], $0x4000  }
0x3a: {  	[sflag:s25] =	ssyncset.done $0x0  }
0x3b: {  	s12 =	simm.s32 $0x300;
	[sflag:s25] =	ssyncadd.s32 $0xFFFFC000  }
0x3c: {  	[tilespmem:s21], [sflag:$0x2] =	stream.indirect.gather [hbm4b:s2+s19], $0x80, s12, s19, $0xb8;
	[tilespmem:$0x1A400] =	vst v63  }
0x3d: {  	_ =	swait.ge [sflag:s0], $0x4000  }
0x3e: {  	[sflag:s0] =	ssyncset.done $0x0  }
0x3f: {  	s13 =	rddreg [dreg:$0x9];
	[sflag:s0] =	ssyncadd.s32 $0xFFFFC000  }
0x40: {  	[hbm4b:s13+s4] =	stream.linear.scatter [tilespmem:s30], [sflag:$0xA], $0x4000, $0x38;
	[tilespmem:$0x1A400] =	vst v63  }
0x41: {  	_ =	swait.ge [sflag:s29], $0x4000  }
0x42: {  	[sflag:s29] =	ssyncset.done $0x0  }
0x43: {  	s10 =	simm.s32 $0x380;
	[sflag:s29] =	ssyncadd.s32 $0xFFFFC000  }
0x44: {  	[tilespmem:s23], [sflag:$0x3] =	stream.indirect.gather [hbm4b:s2+s19], $0x80, s10, s19, $0xb8;
	[tilespmem:$0x1A400] =	vst v63  }
0x45: {  	_ =	swait.ge [sflag:s24], $0x4000  }
0x46: {  	s9 =	sadd.s32 s3, s15;
	[sflag:s24] =	ssyncset.done $0x0  }
0x47: {  	s10 =	sadd.s32 $0x2800, s9;
	[sflag:s24] =	ssyncadd.s32 $0xFFFFC000  }
0x48: {  	[hbm4b:s10+s4] =	stream.linear.scatter [tilespmem:s20], [sflag:$0x6], $0x4000, $0x38;
	[tilespmem:$0x1A400] =	vst v63  }
0x49: {  	_ =	swait.ge [sflag:s6], $0x4000  }
0x4a: {  	[sflag:s6] =	ssyncset.done $0x0  }
0x4b: {  	s11 =	simm.s32 $0x400;
	[sflag:s6] =	ssyncadd.s32 $0xFFFFC000  }
0x4c: {  	[tilespmem:s26], [sflag:$0x4] =	stream.indirect.gather [hbm4b:s2+s19], $0x80, s11, s19, $0xb8;
	[tilespmem:$0x1A400] =	vst v63  }
0x4d: {  	_ =	swait.ge [sflag:s28], $0x4000  }
0x4e: {  	[sflag:s28] =	ssyncset.done $0x0  }
0x4f: {  	s12 =	sadd.s32 $0x3000, s9;
	[sflag:s28] =	ssyncadd.s32 $0xFFFFC000  }
0x50: {  	[hbm4b:s12+s4] =	stream.linear.scatter [tilespmem:s21], [sflag:$0x7], $0x4000, $0x38;
	[tilespmem:$0x1A400] =	vst v63  }
0x51: {  	_ =	swait.ge [sflag:s7], $0x4000  }
0x52: {  	[sflag:s7] =	ssyncset.done $0x0  }
0x53: {  	s13 =	simm.s32 $0x480;
	[sflag:s7] =	ssyncadd.s32 $0xFFFFC000  }
0x54: {  	[tilespmem:s30], [sflag:$0x5] =	stream.indirect.gather [hbm4b:s2+s19], $0x80, s13, s19, $0xb8;
	[tilespmem:$0x1A400] =	vst v63  }
0x55: {  	_ =	swait.ge [sflag:s31], $0x4000  }
0x56: {  	[sflag:s31] =	ssyncset.done $0x0  }
0x57: {  	s9 =	sadd.s32 $0x3800, s9;
	[sflag:s31] =	ssyncadd.s32 $0xFFFFC000  }
0x58: {  	[hbm4b:s9+s4] =	stream.linear.scatter [tilespmem:s23], [sflag:$0x8], $0x4000, $0x38;
	[tilespmem:$0x1A400] =	vst v63  }
0x59: {  	_ =	swait.ge [sflag:s1], $0x4000  }
0x5a: {  	[sflag:s1] =	ssyncset.done $0x0  }
0x5b: {  	s11 =	simm.s32 $0x500;
	[sflag:s1] =	ssyncadd.s32 $0xFFFFC000  }
0x5c: {  	[tilespmem:s20], [sflag:$0x1] =	stream.indirect.gather [hbm4b:s2+s19], $0x80, s11, s19, $0xb8;
	[tilespmem:$0x1A400] =	vst v63  }
0x5d: {  	_ =	swait.ge [sflag:s22], $0x4000  }
0x5e: {  	s12 =	rddreg [dreg:$0x4];
	[sflag:s22] =	ssyncset.done $0x0  }
0x5f: {  	[sflag:s22] =	ssyncadd.s32 $0xFFFFC000;
	s9 =	sadd.s32 s3, s12  }
0x60: {  	[hbm4b:s9+s4] =	stream.linear.scatter [tilespmem:s26], [sflag:$0x9], $0x4000, $0x38;
	[tilespmem:$0x1A400] =	vst v63  }
0x61: {  	_ =	swait.ge [sflag:s25], $0x4000  }
0x62: {  	[sflag:s25] =	ssyncset.done $0x0  }
0x63: {  	s13 =	simm.s32 $0x580;
	[sflag:s25] =	ssyncadd.s32 $0xFFFFC000  }
0x64: {  	[tilespmem:s21], [sflag:$0x2] =	stream.indirect.gather [hbm4b:s2+s19], $0x80, s13, s19, $0xb8;
	[tilespmem:$0x1A400] =	vst v63  }
0x65: {  	_ =	swait.ge [sflag:s0], $0x4000  }
0x66: {  	[sflag:s0] =	ssyncset.done $0x0  }
0x67: {  	s9 =	sadd.s32 $0x800, s9;
	[sflag:s0] =	ssyncadd.s32 $0xFFFFC000  }
0x68: {  	[hbm4b:s9+s4] =	stream.linear.scatter [tilespmem:s30], [sflag:$0xA], $0x4000, $0x38;
	[tilespmem:$0x1A400] =	vst v63  }
0x69: {  	_ =	swait.ge [sflag:s29], $0x4000  }
0x6a: {  	s10 =	sadd.s32 $0x2800, s3;
	[sflag:s29] =	ssyncset.done $0x0  }
0x6b: {  	s11 =	simm.s32 $0x600;
	s9 =	simm.s32 $0xA00;
	[sflag:s29] =	ssyncadd.s32 $0xFFFFC000  }
.LBB2_2:
0x6c: {  	[tilespmem:s23], [sflag:$0x3] =	stream.indirect.gather [hbm4b:s2+s19], $0x80, s11, s19, $0xb8;
	[tilespmem:$0x1A400] =	vst v63  }
0x6d: {  	_ =	swait.ge [sflag:s24], $0x4000  }
0x6e: {  	s12 =	sadd.s32 s10, s15;
	[sflag:s24] =	ssyncset.done $0x0  }
0x6f: {  	s13 =	sadd.s32 $0x2800, s12;
	[sflag:s24] =	ssyncadd.s32 $0xFFFFC000  }
0x70: {  	[hbm4b:s13+s4] =	stream.linear.scatter [tilespmem:s20], [sflag:$0x6], $0x4000, $0x38;
	[tilespmem:$0x1A400] =	vst v63  }
0x71: {  	s11 =	smov.u32 s9;
	_ =	swait.ge [sflag:s6], $0x4000  }
0x72: {  	s11 =	sshra.s32 s11, $0x2;
	[sflag:s6] =	ssyncset.done $0x0  }
0x73: {  	s13 =	sadd.s32 $0x400, s11;
	[sflag:s6] =	ssyncadd.s32 $0xFFFFC000  }
0x74: {  	[tilespmem:s26], [sflag:$0x4] =	stream.indirect.gather [hbm4b:s2+s19], $0x80, s13, s19, $0xb8;
	[tilespmem:$0x1A400] =	vst v63  }
0x75: {  	_ =	swait.ge [sflag:s28], $0x4000  }
0x76: {  	[sflag:s28] =	ssyncset.done $0x0  }
0x77: {  	s13 =	sadd.s32 $0x3000, s12;
	[sflag:s28] =	ssyncadd.s32 $0xFFFFC000  }
0x78: {  	[hbm4b:s13+s4] =	stream.linear.scatter [tilespmem:s21], [sflag:$0x7], $0x4000, $0x38;
	[tilespmem:$0x1A400] =	vst v63  }
0x79: {  	_ =	swait.ge [sflag:s7], $0x4000  }
0x7a: {  	[sflag:s7] =	ssyncset.done $0x0  }
0x7b: {  	s13 =	sadd.s32 $0x480, s11;
	[sflag:s7] =	ssyncadd.s32 $0xFFFFC000  }
0x7c: {  	[tilespmem:s30], [sflag:$0x5] =	stream.indirect.gather [hbm4b:s2+s19], $0x80, s13, s19, $0xb8;
	[tilespmem:$0x1A400] =	vst v63  }
0x7d: {  	_ =	swait.ge [sflag:s31], $0x4000  }
0x7e: {  	[sflag:s31] =	ssyncset.done $0x0  }
0x7f: {  	s12 =	sadd.s32 $0x3800, s12;
	[sflag:s31] =	ssyncadd.s32 $0xFFFFC000  }
0x80: {  	[hbm4b:s12+s4] =	stream.linear.scatter [tilespmem:s23], [sflag:$0x8], $0x4000, $0x38;
	[tilespmem:$0x1A400] =	vst v63  }
0x81: {  	_ =	swait.ge [sflag:s1], $0x4000  }
0x82: {  	[sflag:s1] =	ssyncset.done $0x0  }
0x83: {  	s13 =	sadd.s32 $0x500, s11;
	[sflag:s1] =	ssyncadd.s32 $0xFFFFC000  }
0x84: {  	[tilespmem:s20], [sflag:$0x1] =	stream.indirect.gather [hbm4b:s2+s19], $0x80, s13, s19, $0xb8;
	[tilespmem:$0x1A400] =	vst v63  }
0x85: {  	_ =	swait.ge [sflag:s22], $0x4000  }
0x86: {  	s13 =	rddreg [dreg:$0x4];
	[sflag:s22] =	ssyncset.done $0x0  }
0x87: {  	[sflag:s22] =	ssyncadd.s32 $0xFFFFC000;
	s12 =	sadd.s32 s10, s13  }
0x88: {  	[hbm4b:s12+s4] =	stream.linear.scatter [tilespmem:s26], [sflag:$0x9], $0x4000, $0x38;
	[tilespmem:$0x1A400] =	vst v63  }
0x89: {  	_ =	swait.ge [sflag:s25], $0x4000  }
0x8a: {  	[sflag:s25] =	ssyncset.done $0x0  }
0x8b: {  	s13 =	sadd.s32 $0x580, s11;
	[sflag:s25] =	ssyncadd.s32 $0xFFFFC000  }
0x8c: {  	[tilespmem:s21], [sflag:$0x2] =	stream.indirect.gather [hbm4b:s2+s19], $0x80, s13, s19, $0xb8;
	[tilespmem:$0x1A400] =	vst v63  }
0x8d: {  	_ =	swait.ge [sflag:s0], $0x4000  }
0x8e: {  	p0 =	sne.s32 s9, $0x17200;
	[sflag:s0] =	ssyncset.done $0x0  }
.Ltmp0:
0x8f: {  	s12 =	sadd.s32 $0x800, s12;
	[sflag:s0] =	ssyncadd.s32 $0xFFFFC000;
	(pc) =	sbr.rel @p0 .LBB2_2-.Ltmp0, $4  }
0x90: {  	[hbm4b:s12+s4] =	stream.linear.scatter [tilespmem:s30], [sflag:$0xA], $0x4000, $0x38;
	[tilespmem:$0x1A400] =	vst v63  }
0x91: {  	_ =	swait.ge [sflag:s29], $0x4000  }
0x92: {  	s9 =	sadd.s32 $0xA00, s9;
	[sflag:s29] =	ssyncset.done $0x0  }
0x93: {  	s11 =	sadd.s32 $0x600, s11;
	s10 =	sadd.s32 $0x2800, s10;
	[sflag:s29] =	ssyncadd.s32 $0xFFFFC000  }
0x94: {  	[tilespmem:s23], [sflag:$0x3] =	stream.indirect.gather [hbm4b:s2+s19], $0x80, s11, s19, $0xb8;
	[tilespmem:$0x1A400] =	vst v63  }
0x95: {  	_ =	swait.ge [sflag:s24], $0x4000  }
0x96: {  	[sflag:s24] =	ssyncset.done $0x0  }
0x97: {  	s9 =	rddreg [dreg:$0xa];
	[sflag:s24] =	ssyncadd.s32 $0xFFFFC000  }
0x98: {  	[hbm4b:s9+s4] =	stream.linear.scatter [tilespmem:s20], [sflag:$0x6], $0x4000, $0x38;
	[tilespmem:$0x1A400] =	vst v63  }
0x99: {  	_ =	swait.ge [sflag:s6], $0x4000  }
0x9a: {  	[sflag:s6] =	ssyncset.done $0x0  }
0x9b: {  	s10 =	simm.s32 $0x6300;
	[sflag:s6] =	ssyncadd.s32 $0xFFFFC000  }
0x9c: {  	[tilespmem:s26], [sflag:$0x4] =	stream.indirect.gather [hbm4b:s2+s19], $0x80, s10, s19, $0xb8;
	[tilespmem:$0x1A400] =	vst v63  }
0x9d: {  	_ =	swait.ge [sflag:s28], $0x4000  }
0x9e: {  	[sflag:s28] =	ssyncset.done $0x0  }
0x9f: {  	s11 =	rddreg [dreg:$0xb];
	[sflag:s28] =	ssyncadd.s32 $0xFFFFC000  }
0xa0: {  	[hbm4b:s11+s4] =	stream.linear.scatter [tilespmem:s21], [sflag:$0x7], $0x4000, $0x38;
	[tilespmem:$0x1A400] =	vst v63  }
0xa1: {  	_ =	swait.ge [sflag:s7], $0x4000  }
0xa2: {  	[sflag:s7] =	ssyncset.done $0x0  }
0xa3: {  	s12 =	simm.s32 $0x6380;
	[sflag:s7] =	ssyncadd.s32 $0xFFFFC000  }
0xa4: {  	[tilespmem:s30], [sflag:$0x5] =	stream.indirect.gather [hbm4b:s2+s19], $0x80, s12, s19, $0xb8;
	[tilespmem:$0x1A400] =	vst v63  }
0xa5: {  	_ =	swait.ge [sflag:s31], $0x4000  }
0xa6: {  	[sflag:s31] =	ssyncset.done $0x0  }
0xa7: {  	s13 =	rddreg [dreg:$0xc];
	[sflag:s31] =	ssyncadd.s32 $0xFFFFC000  }
0xa8: {  	[hbm4b:s13+s4] =	stream.linear.scatter [tilespmem:s23], [sflag:$0x8], $0x4000, $0x38;
	[tilespmem:$0x1A400] =	vst v63  }
0xa9: {  	_ =	swait.ge [sflag:s1], $0x4000  }
0xaa: {  	[sflag:s1] =	ssyncset.done $0x0  }
0xab: {  	[sflag:s1] =	ssyncadd.s32 $0xFFFFC000  }
0xac: {  	_ =	swait.ge [sflag:s22], $0x4000  }
0xad: {  	[sflag:s22] =	ssyncset.done $0x0  }
0xae: {  	[sflag:s22] =	ssyncadd.s32 $0xFFFFC000  }
0xaf: {  	[hbm4b:s14+s4] =	stream.linear.scatter [tilespmem:s26], [sflag:$0x9], $0x4000, $0x38;
	[tilespmem:$0x1A400] =	vst v63  }
0xb0: {  	_ =	swait.ge [sflag:s25], $0x4000  }
0xb1: {  	[sflag:s25] =	ssyncset.done $0x0  }
0xb2: {  	[sflag:s25] =	ssyncadd.s32 $0xFFFFC000  }
0xb3: {  	_ =	swait.ge [sflag:s0], $0x4000  }
0xb4: {  	[sflag:s0] =	ssyncset.done $0x0  }
0xb5: {  	[sflag:s0] =	ssyncadd.s32 $0xFFFFC000  }
0xb6: {  	[hbm4b:s16+s4] =	stream.linear.scatter [tilespmem:s30], [sflag:$0xA], $0x4000, $0x38;
	[tilespmem:$0x1A400] =	vst v63  }
0xb7: {  	_ =	swait.ge [sflag:s29], $0x4000  }
0xb8: {  	[sflag:s29] =	ssyncset.done $0x0  }
0xb9: {  	s8 =	sadd.s32 $0x1, s8;
	[sflag:s29] =	ssyncadd.s32 $0xFFFFC000  }
0xba: {  	p0 =	sne.s32 s8, s17;
	_ =	swait.ge [sflag:s6], $0x4000  }
.Ltmp1:
0xbb: {  	[sflag:s6] =	ssyncset.done $0x0;
	(pc) =	sbr.rel @p0 .LBB2_1-.Ltmp1, $4  }
0xbc: {  	[sflag:s6] =	ssyncadd.s32 $0xFFFFC000  }
0xbd: {  	_ =	swait.ge [sflag:s7], $0x4000  }
0xbe: {  	[sflag:s7] =	ssyncset.done $0x0  }
0xbf: {  	[sflag:s7] =	ssyncadd.s32 $0xFFFFC000  }
0xc0: {  	_ =	sfence.sel $0x180000  }
0xc1: {  	[bflag:$0x0] =	sbarrier.arrive $0xFFFF  }
0xc2: {  	_ =	strace $0x90000047  }
0xc3: {  	s0 =	stileid.u32;
	[bflag:$0x2] =	sbarrier.arrive $0xFFFF  }
0xc4: {  	p0 =	sne.s32 s0, $0x0;
	s0 =	rddreg [dreg:$0x3]  }
0xc5: {  	s0 =	sadd.s32 @!p0 $0x100000, s0  }
0xc6: {  	[sflag:s0] =	ssyncadd.tile.s32 @!p0 $0x1;
	_ =	shalt  }
.Lfunc_end2:
_tile_overlayer_lowered:
.L_overlay_start_2:
0xc7: {  	(tag) =	ssettag $0x2  }
0xc8: {  	s0 =	rddreg [dreg:$0x0];
	s2 =	stileid.u32  }
0xc9: {  	s1 =	rddreg [dreg:$0x1];
	p0 =	sne.s32 s2, $0x0  }
0xca: {  	s3 =	rddreg [dreg:$0x2];
	[bflag:$0x3] =	sbarrier.arrive $0xFFFF;
	s2 =	simm.s32 @!p0 $0x1C0B  }
0xcb: {  	[timem:s3], [sflag:s2] =	dma.local @!p0 [hbm:s0], s1  }
0xcc: {  	s0 =	simm.s32 @!p0 $0xB  }
0xcd: {  	_ =	swait.ge @!p0 [sflag:s0], s1  }
0xce: {  	s1 =	ssub.s32 @!p0 $0x0, s1;
	[sflag:s0] =	ssyncset.done @!p0 $0x0  }
0xcf: {  	[sflag:s0] =	ssyncadd.s32 @!p0 s1  }
0xd0: {  	[bflag:$0x3] =	sbarrier.arrive $0xFFFF  }
0xd1: {  	_ =	shalt  }

</sc_bundles>
